<compile_context>
chip_gen: v7x
topology: tpu7x:2x2x1
jax: 0.10.2.dev20260603
libtpu: 0.0.44.dev20260713+nightly
codegen_flags: <defaults>
</compile_context>

<pallas_src>
import functools

import jax
import jax.numpy as jnp
from jax import lax
from jax.experimental import pallas as pl
from jax.experimental.pallas import tpu as pltpu
from jax.experimental.pallas import tpu_sc as plsc

B, S, D, M, L = 2, 2048, 1024, 256, 16
SIM_K, CONT_K = 8, 4
MEM_LEN = (SIM_K + CONT_K) * L
N_ROWS = B * MEM_LEN
C_BLK = 64
N_CTX = MEM_LEN + S
S_BLK = 1024
NEG = -3.0e38


def _stage1_body(q_ref, wsim_ref, bsim_ref, mkeys_ref, ts_ref,
                 idx_ref, acc_ref):
    i = pl.program_id(0)

    @pl.when(i == 0)
    def _():
        acc_ref[...] = jnp.zeros_like(acc_ref)

    acc_ref[...] += jnp.sum(q_ref[...], axis=1)

    @pl.when(i == pl.num_programs(0) - 1)
    def _():
        q_mean = acc_ref[...] * (1.0 / S)
        q_proj = lax.dot_general(
            q_mean, wsim_ref[...], (((1,), (1,)), ((), ())),
            preferred_element_type=jnp.float32) + bsim_ref[...]
        scores = lax.dot_general(
            q_proj, mkeys_ref[...], (((1,), (1,)), ((), ())),
            preferred_element_type=jnp.float32)

        iota = lax.broadcasted_iota(jnp.int32, (B, M), 1)
        s = scores
        sim_am = []
        for _ in range(SIM_K):
            m = jnp.max(s, axis=1, keepdims=True)
            am = jnp.min(jnp.where(s >= m, iota, M), axis=1, keepdims=True)
            sim_am.append(am)
            s = jnp.where(iota == am, NEG, s)

        t = ts_ref[...]
        tio = lax.broadcasted_iota(jnp.int32, (1, M), 1)
        cont_am = []
        for _ in range(CONT_K):
            m = jnp.max(t, axis=1, keepdims=True)
            am = jnp.min(jnp.where(t >= m, tio, M), axis=1, keepdims=True)
            cont_am.append(am)
            t = jnp.where(tio == am, NEG, t)

        p = lax.broadcasted_iota(jnp.int32, (1, N_ROWS), 1)
        grp = lax.shift_right_logical(p, 4)
        rows = jnp.bitwise_and(p, 15)
        for k in range(SIM_K):
            a0 = jnp.broadcast_to(sim_am[k][0:1, 0:1], (1, N_ROWS))
            a1 = jnp.broadcast_to(sim_am[k][1:2, 0:1], (1, N_ROWS))
            rows = rows + jnp.where(grp == k, a0 * L, 0)
            rows = rows + jnp.where(grp == SIM_K + CONT_K + k, a1 * L, 0)
        for k in range(CONT_K):
            c = jnp.broadcast_to(cont_am[k][0:1, 0:1], (1, N_ROWS))
            rows = rows + jnp.where(grp == SIM_K + k, c * L, 0)
            rows = rows + jnp.where(grp == 2 * SIM_K + CONT_K + k, c * L, 0)
        idx_ref[...] = rows


def _stage1(query, w_sim, b_sim, m_keys, ts):
    return pl.pallas_call(
        _stage1_body,
        grid=(S // S_BLK,),
        in_specs=[
            pl.BlockSpec((B, S_BLK, D), lambda i: (0, i, 0)),
            pl.BlockSpec((D, D), lambda i: (0, 0)),
            pl.BlockSpec((1, D), lambda i: (0, 0)),
            pl.BlockSpec((M, D), lambda i: (0, 0)),
            pl.BlockSpec((1, M), lambda i: (0, 0)),
        ],
        out_specs=pl.BlockSpec((1, N_ROWS), lambda i: (0, 0)),
        out_shape=jax.ShapeDtypeStruct((1, N_ROWS), jnp.int32),
        scratch_shapes=[pltpu.VMEM((B, D), jnp.float32)],
    )(query, w_sim, b_sim, m_keys, ts)


@functools.cache
def _make_sc_gather():
    mesh = plsc.VectorSubcoreMesh(core_axis_name="c", subcore_axis_name="s")

    @functools.partial(
        pl.kernel,
        mesh=mesh,
        out_type=jax.ShapeDtypeStruct((N_ROWS, D), jnp.float32),
        scratch_types=[
            pltpu.VMEM((16,), jnp.int32),
            pltpu.VMEM((16, D), jnp.float32),
            pltpu.SemaphoreType.DMA,
        ],
    )
    def _sc_gather(table_hbm, idx_hbm, out_hbm, idx_v, rows_v, sem):
        wid = lax.axis_index("s") * 2 + lax.axis_index("c")

        @pl.when(wid < N_ROWS // 16)
        def _():
            base = wid * 16
            pltpu.sync_copy(idx_hbm.at[pl.ds(base, 16)], idx_v)
            pltpu.async_copy(table_hbm.at[idx_v], rows_v, sem).wait()
            pltpu.sync_copy(rows_v, out_hbm.at[pl.ds(base, 16)])

    return _sc_gather


def _mlp_body(x_ref, w1_ref, b1_ref, w2_ref, b2_ref, o_ref):
    h = lax.dot_general(
        x_ref[...], w1_ref[...], (((1,), (1,)), ((), ())),
        preferred_element_type=jnp.float32) + b1_ref[...]
    h = jnp.maximum(h, 0.0)
    o_ref[...] = lax.dot_general(
        h, w2_ref[...], (((1,), (1,)), ((), ())),
        preferred_element_type=jnp.float32) + b2_ref[...]


def _mlp(x, w1, b1, w2, b2):
    return pl.pallas_call(
        _mlp_body,
        out_shape=jax.ShapeDtypeStruct((x.shape[0], D), jnp.float32),
    )(x, w1, b1, w2, b2)


def kernel(query, key, value, attention_mask, W_brain, W_store1, b_store1,
           W_store2, b_store2, W_sim, b_sim, memory_keys, memory_values,
           memory_timestamps):
    idx = _stage1(query, W_sim, b_sim.reshape(1, D), memory_keys,
                  memory_timestamps.reshape(1, M))
    table = memory_values.reshape(M * L, D)
    rows = _make_sc_gather()(table, idx.reshape(N_ROWS))
    y = _mlp(rows, W_store1, b_store1.reshape(1, D),
             W_store2, b_store2.reshape(1, D))
    context = jnp.concatenate([y.reshape(B, MEM_LEN, D), key], axis=1)
    ext_mask = jnp.concatenate(
        [jnp.ones((B, MEM_LEN), attention_mask.dtype), attention_mask], axis=1)
    return (query, context, context, ext_mask)

# --- scband reference (transcript-rebuilt; emitter-appended) ---
"""Pipeline reference for scband-praxis-memory-42073499631739 (READ-ONLY COPY).

The authoritative reference and input builder live on the scoring server;
editing this copy changes nothing except your own understanding.
"""

import jax, jax.numpy as jnp
import numpy as np

B, S, D, V = 2, 2048, 1024, 8192
M, L = 256, 16
SIM_K, CONT_K = 8, 4
WINDOW, GAMMA = 20, 2.0


def setup_inputs(seed: int = 0) -> dict:
    key = jax.random.key(seed)
    ks = jax.random.split(key, 14)
    inp = {}
    inp['query'] = jax.random.normal(ks[0], (B, S, D), jnp.float32)
    inp['key'] = jax.random.normal(ks[1], (B, S, D), jnp.float32)
    inp['value'] = jax.random.normal(ks[2], (B, S, D), jnp.float32)
    inp['attention_mask'] = jnp.ones((B, S), jnp.float32)
    # learned params
    inp['W_brain'] = jax.random.normal(ks[3], (V, D), jnp.float32) * 0.02
    inp['W_store1'] = jax.random.normal(ks[4], (D, D), jnp.float32) * 0.02
    inp['b_store1'] = jnp.zeros((D,), jnp.float32)
    inp['W_store2'] = jax.random.normal(ks[5], (D, D), jnp.float32) * 0.02
    inp['b_store2'] = jnp.zeros((D,), jnp.float32)
    inp['W_sim'] = jax.random.normal(ks[6], (D, D), jnp.float32) * 0.02
    inp['b_sim'] = jnp.zeros((D,), jnp.float32)
    # persistent memory buffers (pretend pre-filled from earlier steps)
    inp['memory_keys'] = jax.random.normal(ks[7], (M, D), jnp.float32)
    inp['memory_values'] = jax.random.normal(ks[8], (M, L, D), jnp.float32)
    inp['memory_timestamps'] = jnp.arange(M, dtype=jnp.float32)
    return inp


def reference(query, key, value, attention_mask, W_brain, W_store1, b_store1,
              W_store2, b_store2, W_sim, b_sim, memory_keys, memory_values,
              memory_timestamps):
    # brain head -> surprise scores (entropy of predictive distribution)
    logits = jnp.einsum('bsd,vd->bsv', query, W_brain)
    logp = jax.nn.log_softmax(logits, axis=-1)
    surprise = -jnp.sum(jnp.exp(logp) * logp, axis=-1)  # [B, S]
    # dynamic surprise threshold over sliding windows (torch unfold equivalent)
    widx = jnp.arange(S - WINDOW + 1)[:, None] + jnp.arange(WINDOW)[None, :]
    windows = surprise[:, widx]                       # [B, S-W+1, W]
    mu = windows.mean(axis=-1)
    sigma = windows.std(axis=-1, ddof=1)
    thr = mu + GAMMA * sigma
    thr = jnp.concatenate([jnp.repeat(thr[:, :1], WINDOW - 1, axis=1), thr], axis=1)
    boundaries = (surprise > thr).astype(jnp.float32)  # [B, S]
    # state-update path (scatter-write of event summaries into memory bank).
    # In the torch module this mutates registered buffers; outputs this step
    # do not depend on it, but we keep the scatter for fidelity.
    ev_sum = (query * boundaries[..., None]).sum(axis=1)
    ev_cnt = boundaries.sum(axis=1, keepdims=True) + 1e-6
    event_summary = ev_sum / ev_cnt                    # [B, D]
    write_idx = jnp.arange(B) % M
    _new_memory_keys = memory_keys.at[write_idx].set(event_summary)
    # retrieval: similarity buffer via projected query vs memory keys
    q_mean = query.mean(axis=1)                        # [B, D]
    q_proj = q_mean @ W_sim.T + b_sim
    scores = q_proj @ memory_keys.T                    # [B, M]
    _, sim_idx = jax.lax.top_k(scores, SIM_K)          # [B, SIM_K]
    sim_buf = memory_values[sim_idx].reshape(B, SIM_K * L, D)
    # contiguity buffer: most recent memories by timestamp
    _, cont_idx = jax.lax.top_k(memory_timestamps, CONT_K)
    cont_buf = jnp.broadcast_to(
        memory_values[cont_idx].reshape(1, CONT_K * L, D), (B, CONT_K * L, D))

    def storage(x):
        return jax.nn.relu(x @ W_store1.T + b_store1) @ W_store2.T + b_store2

    sim_buf = storage(sim_buf)
    cont_buf = storage(cont_buf)
    context = jnp.concatenate([sim_buf, cont_buf, key], axis=1)
    mem_len = (SIM_K + CONT_K) * L
    ext_mask = jnp.concatenate(
        [jnp.ones((B, mem_len), attention_mask.dtype), attention_mask], axis=1)
    return (query, context, context, ext_mask)

if __name__ == "__main__":
    import jax
    _d = setup_inputs()
    print(jax.jit(kernel)(*tuple(_d.values())))

</pallas_src>

<mosaic_0001>
#map = affine_map<(d0, d1) -> (0, 0)>
#map1 = affine_map<(d0, d1) -> (0)>
module attributes {stable_mosaic.version = 14 : i64} {
  func.func @_sc_gather(%arg0: i32, %arg1: i32, %arg2: memref<4096x1024xf32, #tpu.memory_space<hbm>>, %arg3: memref<384xi32, #tpu.memory_space<hbm>>, %arg4: memref<384x1024xf32, #tpu.memory_space<hbm>>, %arg5: memref<16xi32, #tpu.memory_space<vmem>>, %arg6: memref<16x1024xf32, #tpu.memory_space<vmem>>, %arg7: memref<!tpu.dma_semaphore, #tpu.memory_space<semaphore_mem>>) attributes {dimension_semantics = [#tpu.dimension_semantics<core_parallel>, #tpu.dimension_semantics<subcore_parallel>], iteration_bounds = array<i64: 2, 16>, scalar_prefetch = 0 : i64, scratch_operands = 3 : i64, tpu.core_type = #tpu.core_type<sc_vector_subcore>, window_params = [{transform_indices = #map}, {transform_indices = #map1}, {transform_indices = #map}]} {
    %mul3A = arith.constant 2 : i32
    %mul3A_0 = arith.muli %arg1, %mul3A : i32
    %add3A = arith.addi %mul3A_0, %arg0 : i32
    %lt3A = arith.constant 24 : i32
    %lt3A_1 = arith.cmpi slt, %add3A, %lt3A : i32
    %convert_element_type3A = arith.extui %lt3A_1 : i1 to i32
    %cond3A = arith.constant 0 : i32
    %cond3A_2 = arith.cmpi ne, %convert_element_type3A, %cond3A : i32
    scf.if %cond3A_2 {
      %mul3A_3 = arith.constant 16 : i32
      %mul3A_4 = arith.muli %add3A, %mul3A_3 : i32
      "tpu.region"() ({
        %run_scoped3A = tpu.sem_alloc : memref<!tpu.dma_semaphore, #tpu.memory_space<semaphore_mem>>
        %dma_start3A_9 = tpu.memref_slice %arg3[%mul3A_4] : memref<384xi32, #tpu.memory_space<hbm>> -> memref<16xi32, #tpu.memory_space<hbm>>
        %dma_start3A_10 = tpu.memref_slice %arg3[%mul3A_4] : memref<384xi32, #tpu.memory_space<hbm>> -> memref<16xi32, #tpu.memory_space<hbm>>
        tpu.enqueue_dma source(%dma_start3A_10 : memref<16xi32, #tpu.memory_space<hbm>>) target(%arg5 : memref<16xi32, #tpu.memory_space<vmem>>) target_semaphore(%run_scoped3A : memref<!tpu.dma_semaphore, #tpu.memory_space<semaphore_mem>>)
        %dma_wait3A_11 = tpu.memref_slice %arg3[%mul3A_4] : memref<384xi32, #tpu.memory_space<hbm>> -> memref<16xi32, #tpu.memory_space<hbm>>
        %dma_wait3A_12 = tpu.memref_slice %arg3[%mul3A_4] : memref<384xi32, #tpu.memory_space<hbm>> -> memref<16xi32, #tpu.memory_space<hbm>>
        tpu.wait_dma2 semaphore(%run_scoped3A : memref<!tpu.dma_semaphore, #tpu.memory_space<semaphore_mem>>) src(%dma_wait3A_12 : memref<16xi32, #tpu.memory_space<hbm>>) dst(%arg5 : memref<16xi32, #tpu.memory_space<vmem>>)
        tpu.yield
      }) : () -> ()
      %dma_start3A = arith.constant 0 : i32
      %dma_start3A_5 = arith.constant 0 : i32
      %dma_start3A_6 = tpu.memref_slice %arg2[%dma_start3A, %dma_start3A_5] : memref<4096x1024xf32, #tpu.memory_space<hbm>> -> memref<4096x1024xf32, #tpu.memory_space<hbm>>
      tpu.enqueue_indirect_dma source(%dma_start3A_6 : memref<4096x1024xf32, #tpu.memory_space<hbm>>) target(%arg6 : memref<16x1024xf32, #tpu.memory_space<vmem>>) offsets(%arg5 : memref<16xi32, #tpu.memory_space<vmem>>) semaphore(%arg7 : memref<!tpu.dma_semaphore, #tpu.memory_space<semaphore_mem>>)
      %dma_wait3A = arith.constant 0 : i32
      %dma_wait3A_7 = arith.constant 0 : i32
      %dma_wait3A_8 = tpu.memref_slice %arg2[%dma_wait3A, %dma_wait3A_7] : memref<4096x1024xf32, #tpu.memory_space<hbm>> -> memref<4096x1024xf32, #tpu.memory_space<hbm>>
      tpu.wait_indirect_dma semaphore(%arg7 : memref<!tpu.dma_semaphore, #tpu.memory_space<semaphore_mem>>) src(%dma_wait3A_8 : memref<4096x1024xf32, #tpu.memory_space<hbm>>) dst(%arg6 : memref<16x1024xf32, #tpu.memory_space<vmem>>)
      "tpu.region"() ({
        %run_scoped3A = tpu.sem_alloc : memref<!tpu.dma_semaphore, #tpu.memory_space<semaphore_mem>>
        %dma_start3A_9 = arith.constant 0 : i32
        %dma_start3A_10 = tpu.memref_slice %arg4[%mul3A_4, %dma_start3A_9] : memref<384x1024xf32, #tpu.memory_space<hbm>> -> memref<16x1024xf32, #tpu.memory_space<hbm>>
        %dma_start3A_11 = arith.constant 0 : i32
        %dma_start3A_12 = tpu.memref_slice %arg4[%mul3A_4, %dma_start3A_11] : memref<384x1024xf32, #tpu.memory_space<hbm>> -> memref<16x1024xf32, #tpu.memory_space<hbm>>
        tpu.enqueue_dma source(%arg6 : memref<16x1024xf32, #tpu.memory_space<vmem>>) target(%dma_start3A_12 : memref<16x1024xf32, #tpu.memory_space<hbm>>) target_semaphore(%run_scoped3A : memref<!tpu.dma_semaphore, #tpu.memory_space<semaphore_mem>>)
        %dma_wait3A_13 = arith.constant 0 : i32
        %dma_wait3A_14 = tpu.memref_slice %arg4[%mul3A_4, %dma_wait3A_13] : memref<384x1024xf32, #tpu.memory_space<hbm>> -> memref<16x1024xf32, #tpu.memory_space<hbm>>
        %dma_wait3A_15 = arith.constant 0 : i32
        %dma_wait3A_16 = tpu.memref_slice %arg4[%mul3A_4, %dma_wait3A_15] : memref<384x1024xf32, #tpu.memory_space<hbm>> -> memref<16x1024xf32, #tpu.memory_space<hbm>>
        tpu.wait_dma2 semaphore(%run_scoped3A : memref<!tpu.dma_semaphore, #tpu.memory_space<semaphore_mem>>) src(%arg6 : memref<16x1024xf32, #tpu.memory_space<vmem>>) dst(%dma_wait3A_16 : memref<16x1024xf32, #tpu.memory_space<hbm>>)
        tpu.yield
      }) : () -> ()
    } else {
    }
    return
  }
}

module attributes {stable_mosaic.version = 14 : i64} {
  func.func @_mlp_body(%arg0: memref<384x1024xf32, #tpu.memory_space<vmem>>, %arg1: memref<1024x1024xf32, #tpu.memory_space<vmem>>, %arg2: memref<1x1024xf32, #tpu.memory_space<vmem>>, %arg3: memref<1024x1024xf32, #tpu.memory_space<vmem>>, %arg4: memref<1x1024xf32, #tpu.memory_space<vmem>>, %arg5: memref<384x1024xf32, #tpu.memory_space<vmem>>) attributes {dimension_semantics = [], scalar_prefetch = 0 : i64, scratch_operands = 0 : i64, tpu.core_type = #tpu.core_type<tc>} {
    %get3A = arith.constant 0 : index
    %get3A_0 = arith.constant 0 : index
    %get3A_1 = vector.load %arg0[%get3A, %get3A_0] : memref<384x1024xf32, #tpu.memory_space<vmem>>, vector<384x1024xf32>
    %get3A_2 = arith.constant 0 : index
    %get3A_3 = arith.constant 0 : index
    %get3A_4 = vector.load %arg1[%get3A_2, %get3A_3] : memref<1024x1024xf32, #tpu.memory_space<vmem>>, vector<1024x1024xf32>
    %dot_general3A = arith.constant dense<0.000000e+00> : vector<384x1024xf32>
    %dot_general3A_5 = tpu.matmul %get3A_1, %get3A_4, %dot_general3A {dimension_numbers = #tpu.dot_dimension_numbers<[1], [1], [0], [0], [0, 0, 1, 0], [], []>, transpose_lhs_hint = false} : vector<384x1024xf32>, vector<1024x1024xf32>, vector<384x1024xf32> -> vector<384x1024xf32>
    %get3A_6 = arith.constant 0 : index
    %get3A_7 = arith.constant 0 : index
    %get3A_8 = vector.load %arg2[%get3A_6, %get3A_7] : memref<1x1024xf32, #tpu.memory_space<vmem>>, vector<1x1024xf32>
    %add3A = vector.broadcast %get3A_8 : vector<1x1024xf32> to vector<384x1024xf32>
    %add3A_9 = arith.addf %dot_general3A_5, %add3A : vector<384x1024xf32>
    %max3A = arith.constant 0.000000e+00 : f32
    %max3A_10 = vector.broadcast %max3A : f32 to vector<384x1024xf32>
    %max3A_11 = arith.maximumf %add3A_9, %max3A_10 : vector<384x1024xf32>
    %get3A_12 = arith.constant 0 : index
    %get3A_13 = arith.constant 0 : index
    %get3A_14 = vector.load %arg3[%get3A_12, %get3A_13] : memref<1024x1024xf32, #tpu.memory_space<vmem>>, vector<1024x1024xf32>
    %dot_general3A_15 = arith.constant dense<0.000000e+00> : vector<384x1024xf32>
    %dot_general3A_16 = tpu.matmul %max3A_11, %get3A_14, %dot_general3A_15 {dimension_numbers = #tpu.dot_dimension_numbers<[1], [1], [0], [0], [0, 0, 1, 0], [], []>, transpose_lhs_hint = false} : vector<384x1024xf32>, vector<1024x1024xf32>, vector<384x1024xf32> -> vector<384x1024xf32>
    %get3A_17 = arith.constant 0 : index
    %get3A_18 = arith.constant 0 : index
    %get3A_19 = vector.load %arg4[%get3A_17, %get3A_18] : memref<1x1024xf32, #tpu.memory_space<vmem>>, vector<1x1024xf32>
    %add3A_20 = vector.broadcast %get3A_19 : vector<1x1024xf32> to vector<384x1024xf32>
    %add3A_21 = arith.addf %dot_general3A_16, %add3A_20 : vector<384x1024xf32>
    %swap3A = arith.constant 0 : index
    %swap3A_22 = arith.constant 0 : index
    %swap3A_23 = vector.load %arg5[%swap3A, %swap3A_22] : memref<384x1024xf32, #tpu.memory_space<vmem>>, vector<384x1024xf32>
    tpu.vector_store %arg5[%swap3A, %swap3A_22], %add3A_21 {strides = array<i32>} : memref<384x1024xf32, #tpu.memory_space<vmem>>, vector<384x1024xf32>,
    return
  }
}

module attributes {stable_mosaic.version = 14 : i64} {
  func.func @_stage1_body(%arg0: i32, %arg1: memref<2x1024x1024xf32, #tpu.memory_space<vmem>>, %arg2: memref<1024x1024xf32, #tpu.memory_space<vmem>>, %arg3: memref<1x1024xf32, #tpu.memory_space<vmem>>, %arg4: memref<256x1024xf32, #tpu.memory_space<vmem>>, %arg5: memref<1x256xf32, #tpu.memory_space<vmem>>, %arg6: memref<1x384xi32, #tpu.memory_space<vmem>>, %arg7: memref<2x1024xf32, #tpu.memory_space<vmem>>) attributes {dimension_semantics = [#tpu.dimension_semantics<arbitrary>], iteration_bounds = array<i64: 2>, scalar_prefetch = 0 : i64, scratch_operands = 1 : i64, tpu.core_type = #tpu.core_type<tc>, window_params = [{transform_indices = @transform_0, window_bounds = array<i64: 2, 1024, 1024>}, {pipeline_mode = #tpu.pipeline_mode<synchronous>, transform_indices = @transform_1, window_bounds = array<i64: 1024, 1024>}, {pipeline_mode = #tpu.pipeline_mode<synchronous>, transform_indices = @transform_2, window_bounds = array<i64: 1, 1024>}, {pipeline_mode = #tpu.pipeline_mode<synchronous>, transform_indices = @transform_3, window_bounds = array<i64: 256, 1024>}, {pipeline_mode = #tpu.pipeline_mode<synchronous>, transform_indices = @transform_4, window_bounds = array<i64: 1, 256>}, {pipeline_mode = #tpu.pipeline_mode<synchronous>, transform_indices = @transform_5, window_bounds = array<i64: 1, 384>}]} {
    %eq3A = arith.constant 0 : i32
    %eq3A_0 = arith.cmpi eq, %arg0, %eq3A : i32
    %convert_element_type3A = arith.extui %eq3A_0 : i1 to i32
    %cond3A = arith.constant 0 : i32
    %cond3A_1 = arith.cmpi ne, %convert_element_type3A, %cond3A : i32
    scf.if %cond3A_1 {
      %broadcast_in_dim3A = arith.constant 0.000000e+00 : f32
      %broadcast_in_dim3A_16 = vector.broadcast %broadcast_in_dim3A : f32 to vector<2x1024xf32>
      %swap3A_17 = arith.constant 0 : index
      %swap3A_18 = arith.constant 0 : index
      %swap3A_19 = vector.load %arg7[%swap3A_17, %swap3A_18] : memref<2x1024xf32, #tpu.memory_space<vmem>>, vector<2x1024xf32>
      tpu.vector_store %arg7[%swap3A_17, %swap3A_18], %broadcast_in_dim3A_16 {strides = array<i32>} : memref<2x1024xf32, #tpu.memory_space<vmem>>, vector<2x1024xf32>,
    } else {
    }
    %get3A = arith.constant 0 : index
    %get3A_2 = arith.constant 0 : index
    %get3A_3 = vector.load %arg7[%get3A, %get3A_2] : memref<2x1024xf32, #tpu.memory_space<vmem>>, vector<2x1024xf32>
    %get3A_4 = arith.constant 0 : index
    %get3A_5 = arith.constant 0 : index
    %get3A_6 = arith.constant 0 : index
    %get3A_7 = vector.load %arg1[%get3A_4, %get3A_5, %get3A_6] : memref<2x1024x1024xf32, #tpu.memory_space<vmem>>, vector<2x1024x1024xf32>
    %reduce_sum3A = arith.constant dense<0.000000e+00> : vector<2x1024xf32>
    %reduce_sum3A_8 = vector.multi_reduction <add>, %get3A_7, %reduce_sum3A [1] : vector<2x1024x1024xf32> to vector<2x1024xf32>
    %add3A = arith.addf %get3A_3, %reduce_sum3A_8 : vector<2x1024xf32>
    %swap3A = arith.constant 0 : index
    %swap3A_9 = arith.constant 0 : index
    %swap3A_10 = vector.load %arg7[%swap3A, %swap3A_9] : memref<2x1024xf32, #tpu.memory_space<vmem>>, vector<2x1024xf32>
    tpu.vector_store %arg7[%swap3A, %swap3A_9], %add3A {strides = array<i32>} : memref<2x1024xf32, #tpu.memory_space<vmem>>, vector<2x1024xf32>,
    %eq3A_11 = arith.constant 1 : i32
    %eq3A_12 = arith.cmpi eq, %arg0, %eq3A_11 : i32
    %convert_element_type3A_13 = arith.extui %eq3A_12 : i1 to i32
    %cond3A_14 = arith.constant 0 : i32
    %cond3A_15 = arith.cmpi ne, %convert_element_type3A_13, %cond3A_14 : i32
    scf.if %cond3A_15 {
      %get3A_16 = arith.constant 0 : index
      %get3A_17 = arith.constant 0 : index
      %get3A_18 = vector.load %arg7[%get3A_16, %get3A_17] : memref<2x1024xf32, #tpu.memory_space<vmem>>, vector<2x1024xf32>
      %mul3A = arith.constant 4.8828125E-4 : f32
      %mul3A_19 = vector.broadcast %mul3A : f32 to vector<2x1024xf32>
      %mul3A_20 = arith.mulf %get3A_18, %mul3A_19 : vector<2x1024xf32>
      %get3A_21 = arith.constant 0 : index
      %get3A_22 = arith.constant 0 : index
      %get3A_23 = vector.load %arg2[%get3A_21, %get3A_22] : memref<1024x1024xf32, #tpu.memory_space<vmem>>, vector<1024x1024xf32>
      %dot_general3A = arith.constant dense<0.000000e+00> : vector<2x1024xf32>
      %dot_general3A_24 = tpu.matmul %mul3A_20, %get3A_23, %dot_general3A {dimension_numbers = #tpu.dot_dimension_numbers<[1], [1], [0], [0], [0, 0, 1, 0], [], []>, transpose_lhs_hint = false} : vector<2x1024xf32>, vector<1024x1024xf32>, vector<2x1024xf32> -> vector<2x1024xf32>
      %get3A_25 = arith.constant 0 : index
      %get3A_26 = arith.constant 0 : index
      %get3A_27 = vector.load %arg3[%get3A_25, %get3A_26] : memref<1x1024xf32, #tpu.memory_space<vmem>>, vector<1x1024xf32>
      %add3A_28 = vector.broadcast %get3A_27 : vector<1x1024xf32> to vector<2x1024xf32>
      %add3A_29 = arith.addf %dot_general3A_24, %add3A_28 : vector<2x1024xf32>
      %get3A_30 = arith.constant 0 : index
      %get3A_31 = arith.constant 0 : index
      %get3A_32 = vector.load %arg4[%get3A_30, %get3A_31] : memref<256x1024xf32, #tpu.memory_space<vmem>>, vector<256x1024xf32>
      %dot_general3A_33 = arith.constant dense<0.000000e+00> : vector<2x256xf32>
      %dot_general3A_34 = tpu.matmul %add3A_29, %get3A_32, %dot_general3A_33 {dimension_numbers = #tpu.dot_dimension_numbers<[1], [1], [0], [0], [0, 0, 1, 0], [], []>, transpose_lhs_hint = false} : vector<2x1024xf32>, vector<256x1024xf32>, vector<2x256xf32> -> vector<2x256xf32>
      %iota3A = tpu.iota {dimensions = array<i32: 1>} : vector<2x256xi32>
      %reduce_max3A = arith.constant dense<0xFF800000> : vector<2xf32>
      %reduce_max3A_35 = vector.multi_reduction <maximumf>, %dot_general3A_34, %reduce_max3A [1] : vector<2x256xf32> to vector<2xf32>
      %broadcast_in_dim3A = vector.shape_cast %reduce_max3A_35 : vector<2xf32> to vector<2x1xf32>
      %ge3A = vector.broadcast %broadcast_in_dim3A : vector<2x1xf32> to vector<2x256xf32>
      %ge3A_36 = arith.cmpf oge, %dot_general3A_34, %ge3A : vector<2x256xf32>
      %jit3A = arith.constant 256 : i32
      %broadcast_in_dim3A_37 = vector.broadcast %jit3A : i32 to vector<2x256xi32>
      %select_n3A = arith.select %ge3A_36, %iota3A, %broadcast_in_dim3A_37 : vector<2x256xi1>, vector<2x256xi32>
      %reduce_min3A = arith.constant dense<2147483647> : vector<2xi32>
      %reduce_min3A_38 = vector.multi_reduction <minsi>, %select_n3A, %reduce_min3A [1] : vector<2x256xi32> to vector<2xi32>
      %broadcast_in_dim3A_39 = vector.shape_cast %reduce_min3A_38 : vector<2xi32> to vector<2x1xi32>
      %eq3A_40 = vector.broadcast %broadcast_in_dim3A_39 : vector<2x1xi32> to vector<2x256xi32>
      %eq3A_41 = arith.cmpi eq, %iota3A, %eq3A_40 : vector<2x256xi32>
      %jit3A_42 = arith.constant -3.000000e+38 : f32
      %broadcast_in_dim3A_43 = vector.broadcast %jit3A_42 : f32 to vector<2x256xf32>
      %select_n3A_44 = arith.select %eq3A_41, %broadcast_in_dim3A_43, %dot_general3A_34 : vector<2x256xi1>, vector<2x256xf32>
      %reduce_max3A_45 = arith.constant dense<0xFF800000> : vector<2xf32>
      %reduce_max3A_46 = vector.multi_reduction <maximumf>, %select_n3A_44, %reduce_max3A_45 [1] : vector<2x256xf32> to vector<2xf32>
      %broadcast_in_dim3A_47 = vector.shape_cast %reduce_max3A_46 : vector<2xf32> to vector<2x1xf32>
      %ge3A_48 = vector.broadcast %broadcast_in_dim3A_47 : vector<2x1xf32> to vector<2x256xf32>
      %ge3A_49 = arith.cmpf oge, %select_n3A_44, %ge3A_48 : vector<2x256xf32>
      %jit3A_50 = arith.constant 256 : i32
      %broadcast_in_dim3A_51 = vector.broadcast %jit3A_50 : i32 to vector<2x256xi32>
      %select_n3A_52 = arith.select %ge3A_49, %iota3A, %broadcast_in_dim3A_51 : vector<2x256xi1>, vector<2x256xi32>
      %reduce_min3A_53 = arith.constant dense<2147483647> : vector<2xi32>
      %reduce_min3A_54 = vector.multi_reduction <minsi>, %select_n3A_52, %reduce_min3A_53 [1] : vector<2x256xi32> to vector<2xi32>
      %broadcast_in_dim3A_55 = vector.shape_cast %reduce_min3A_54 : vector<2xi32> to vector<2x1xi32>
      %eq3A_56 = vector.broadcast %broadcast_in_dim3A_55 : vector<2x1xi32> to vector<2x256xi32>
      %eq3A_57 = arith.cmpi eq, %iota3A, %eq3A_56 : vector<2x256xi32>
      %jit3A_58 = arith.constant -3.000000e+38 : f32
      %broadcast_in_dim3A_59 = vector.broadcast %jit3A_58 : f32 to vector<2x256xf32>
      %select_n3A_60 = arith.select %eq3A_57, %broadcast_in_dim3A_59, %select_n3A_44 : vector<2x256xi1>, vector<2x256xf32>
      %reduce_max3A_61 = arith.constant dense<0xFF800000> : vector<2xf32>
      %reduce_max3A_62 = vector.multi_reduction <maximumf>, %select_n3A_60, %reduce_max3A_61 [1] : vector<2x256xf32> to vector<2xf32>
      %broadcast_in_dim3A_63 = vector.shape_cast %reduce_max3A_62 : vector<2xf32> to vector<2x1xf32>
      %ge3A_64 = vector.broadcast %broadcast_in_dim3A_63 : vector<2x1xf32> to vector<2x256xf32>
      %ge3A_65 = arith.cmpf oge, %select_n3A_60, %ge3A_64 : vector<2x256xf32>
      %jit3A_66 = arith.constant 256 : i32
      %broadcast_in_dim3A_67 = vector.broadcast %jit3A_66 : i32 to vector<2x256xi32>
      %select_n3A_68 = arith.select %ge3A_65, %iota3A, %broadcast_in_dim3A_67 : vector<2x256xi1>, vector<2x256xi32>
      %reduce_min3A_69 = arith.constant dense<2147483647> : vector<2xi32>
      %reduce_min3A_70 = vector.multi_reduction <minsi>, %select_n3A_68, %reduce_min3A_69 [1] : vector<2x256xi32> to vector<2xi32>
      %broadcast_in_dim3A_71 = vector.shape_cast %reduce_min3A_70 : vector<2xi32> to vector<2x1xi32>
      %eq3A_72 = vector.broadcast %broadcast_in_dim3A_71 : vector<2x1xi32> to vector<2x256xi32>
      %eq3A_73 = arith.cmpi eq, %iota3A, %eq3A_72 : vector<2x256xi32>
      %jit3A_74 = arith.constant -3.000000e+38 : f32
      %broadcast_in_dim3A_75 = vector.broadcast %jit3A_74 : f32 to vector<2x256xf32>
      %select_n3A_76 = arith.select %eq3A_73, %broadcast_in_dim3A_75, %select_n3A_60 : vector<2x256xi1>, vector<2x256xf32>
      %reduce_max3A_77 = arith.constant dense<0xFF800000> : vector<2xf32>
      %reduce_max3A_78 = vector.multi_reduction <maximumf>, %select_n3A_76, %reduce_max3A_77 [1] : vector<2x256xf32> to vector<2xf32>
      %broadcast_in_dim3A_79 = vector.shape_cast %reduce_max3A_78 : vector<2xf32> to vector<2x1xf32>
      %ge3A_80 = vector.broadcast %broadcast_in_dim3A_79 : vector<2x1xf32> to vector<2x256xf32>
      %ge3A_81 = arith.cmpf oge, %select_n3A_76, %ge3A_80 : vector<2x256xf32>
      %jit3A_82 = arith.constant 256 : i32
      %broadcast_in_dim3A_83 = vector.broadcast %jit3A_82 : i32 to vector<2x256xi32>
      %select_n3A_84 = arith.select %ge3A_81, %iota3A, %broadcast_in_dim3A_83 : vector<2x256xi1>, vector<2x256xi32>
      %reduce_min3A_85 = arith.constant dense<2147483647> : vector<2xi32>
      %reduce_min3A_86 = vector.multi_reduction <minsi>, %select_n3A_84, %reduce_min3A_85 [1] : vector<2x256xi32> to vector<2xi32>
      %broadcast_in_dim3A_87 = vector.shape_cast %reduce_min3A_86 : vector<2xi32> to vector<2x1xi32>
      %eq3A_88 = vector.broadcast %broadcast_in_dim3A_87 : vector<2x1xi32> to vector<2x256xi32>
      %eq3A_89 = arith.cmpi eq, %iota3A, %eq3A_88 : vector<2x256xi32>
      %jit3A_90 = arith.constant -3.000000e+38 : f32
      %broadcast_in_dim3A_91 = vector.broadcast %jit3A_90 : f32 to vector<2x256xf32>
      %select_n3A_92 = arith.select %eq3A_89, %broadcast_in_dim3A_91, %select_n3A_76 : vector<2x256xi1>, vector<2x256xf32>
      %reduce_max3A_93 = arith.constant dense<0xFF800000> : vector<2xf32>
      %reduce_max3A_94 = vector.multi_reduction <maximumf>, %select_n3A_92, %reduce_max3A_93 [1] : vector<2x256xf32> to vector<2xf32>
      %broadcast_in_dim3A_95 = vector.shape_cast %reduce_max3A_94 : vector<2xf32> to vector<2x1xf32>
      %ge3A_96 = vector.broadcast %broadcast_in_dim3A_95 : vector<2x1xf32> to vector<2x256xf32>
      %ge3A_97 = arith.cmpf oge, %select_n3A_92, %ge3A_96 : vector<2x256xf32>
      %jit3A_98 = arith.constant 256 : i32
      %broadcast_in_dim3A_99 = vector.broadcast %jit3A_98 : i32 to vector<2x256xi32>
      %select_n3A_100 = arith.select %ge3A_97, %iota3A, %broadcast_in_dim3A_99 : vector<2x256xi1>, vector<2x256xi32>
      %reduce_min3A_101 = arith.constant dense<2147483647> : vector<2xi32>
      %reduce_min3A_102 = vector.multi_reduction <minsi>, %select_n3A_100, %reduce_min3A_101 [1] : vector<2x256xi32> to vector<2xi32>
      %broadcast_in_dim3A_103 = vector.shape_cast %reduce_min3A_102 : vector<2xi32> to vector<2x1xi32>
      %eq3A_104 = vector.broadcast %broadcast_in_dim3A_103 : vector<2x1xi32> to vector<2x256xi32>
      %eq3A_105 = arith.cmpi eq, %iota3A, %eq3A_104 : vector<2x256xi32>
      %jit3A_106 = arith.constant -3.000000e+38 : f32
      %broadcast_in_dim3A_107 = vector.broadcast %jit3A_106 : f32 to vector<2x256xf32>
      %select_n3A_108 = arith.select %eq3A_105, %broadcast_in_dim3A_107, %select_n3A_92 : vector<2x256xi1>, vector<2x256xf32>
      %reduce_max3A_109 = arith.constant dense<0xFF800000> : vector<2xf32>
      %reduce_max3A_110 = vector.multi_reduction <maximumf>, %select_n3A_108, %reduce_max3A_109 [1] : vector<2x256xf32> to vector<2xf32>
      %broadcast_in_dim3A_111 = vector.shape_cast %reduce_max3A_110 : vector<2xf32> to vector<2x1xf32>
      %ge3A_112 = vector.broadcast %broadcast_in_dim3A_111 : vector<2x1xf32> to vector<2x256xf32>
      %ge3A_113 = arith.cmpf oge, %select_n3A_108, %ge3A_112 : vector<2x256xf32>
      %jit3A_114 = arith.constant 256 : i32
      %broadcast_in_dim3A_115 = vector.broadcast %jit3A_114 : i32 to vector<2x256xi32>
      %select_n3A_116 = arith.select %ge3A_113, %iota3A, %broadcast_in_dim3A_115 : vector<2x256xi1>, vector<2x256xi32>
      %reduce_min3A_117 = arith.constant dense<2147483647> : vector<2xi32>
      %reduce_min3A_118 = vector.multi_reduction <minsi>, %select_n3A_116, %reduce_min3A_117 [1] : vector<2x256xi32> to vector<2xi32>
      %broadcast_in_dim3A_119 = vector.shape_cast %reduce_min3A_118 : vector<2xi32> to vector<2x1xi32>
      %eq3A_120 = vector.broadcast %broadcast_in_dim3A_119 : vector<2x1xi32> to vector<2x256xi32>
      %eq3A_121 = arith.cmpi eq, %iota3A, %eq3A_120 : vector<2x256xi32>
      %jit3A_122 = arith.constant -3.000000e+38 : f32
      %broadcast_in_dim3A_123 = vector.broadcast %jit3A_122 : f32 to vector<2x256xf32>
      %select_n3A_124 = arith.select %eq3A_121, %broadcast_in_dim3A_123, %select_n3A_108 : vector<2x256xi1>, vector<2x256xf32>
      %reduce_max3A_125 = arith.constant dense<0xFF800000> : vector<2xf32>
      %reduce_max3A_126 = vector.multi_reduction <maximumf>, %select_n3A_124, %reduce_max3A_125 [1] : vector<2x256xf32> to vector<2xf32>
      %broadcast_in_dim3A_127 = vector.shape_cast %reduce_max3A_126 : vector<2xf32> to vector<2x1xf32>
      %ge3A_128 = vector.broadcast %broadcast_in_dim3A_127 : vector<2x1xf32> to vector<2x256xf32>
      %ge3A_129 = arith.cmpf oge, %select_n3A_124, %ge3A_128 : vector<2x256xf32>
      %jit3A_130 = arith.constant 256 : i32
      %broadcast_in_dim3A_131 = vector.broadcast %jit3A_130 : i32 to vector<2x256xi32>
      %select_n3A_132 = arith.select %ge3A_129, %iota3A, %broadcast_in_dim3A_131 : vector<2x256xi1>, vector<2x256xi32>
      %reduce_min3A_133 = arith.constant dense<2147483647> : vector<2xi32>
      %reduce_min3A_134 = vector.multi_reduction <minsi>, %select_n3A_132, %reduce_min3A_133 [1] : vector<2x256xi32> to vector<2xi32>
      %broadcast_in_dim3A_135 = vector.shape_cast %reduce_min3A_134 : vector<2xi32> to vector<2x1xi32>
      %eq3A_136 = vector.broadcast %broadcast_in_dim3A_135 : vector<2x1xi32> to vector<2x256xi32>
      %eq3A_137 = arith.cmpi eq, %iota3A, %eq3A_136 : vector<2x256xi32>
      %jit3A_138 = arith.constant -3.000000e+38 : f32
      %broadcast_in_dim3A_139 = vector.broadcast %jit3A_138 : f32 to vector<2x256xf32>
      %select_n3A_140 = arith.select %eq3A_137, %broadcast_in_dim3A_139, %select_n3A_124 : vector<2x256xi1>, vector<2x256xf32>
      %reduce_max3A_141 = arith.constant dense<0xFF800000> : vector<2xf32>
      %reduce_max3A_142 = vector.multi_reduction <maximumf>, %select_n3A_140, %reduce_max3A_141 [1] : vector<2x256xf32> to vector<2xf32>
      %broadcast_in_dim3A_143 = vector.shape_cast %reduce_max3A_142 : vector<2xf32> to vector<2x1xf32>
      %ge3A_144 = vector.broadcast %broadcast_in_dim3A_143 : vector<2x1xf32> to vector<2x256xf32>
      %ge3A_145 = arith.cmpf oge, %select_n3A_140, %ge3A_144 : vector<2x256xf32>
      %jit3A_146 = arith.constant 256 : i32
      %broadcast_in_dim3A_147 = vector.broadcast %jit3A_146 : i32 to vector<2x256xi32>
      %select_n3A_148 = arith.select %ge3A_145, %iota3A, %broadcast_in_dim3A_147 : vector<2x256xi1>, vector<2x256xi32>
      %reduce_min3A_149 = arith.constant dense<2147483647> : vector<2xi32>
      %reduce_min3A_150 = vector.multi_reduction <minsi>, %select_n3A_148, %reduce_min3A_149 [1] : vector<2x256xi32> to vector<2xi32>
      %broadcast_in_dim3A_151 = vector.shape_cast %reduce_min3A_150 : vector<2xi32> to vector<2x1xi32>
      %get3A_152 = arith.constant 0 : index
      %get3A_153 = arith.constant 0 : index
      %get3A_154 = vector.load %arg5[%get3A_152, %get3A_153] : memref<1x256xf32, #tpu.memory_space<vmem>>, vector<1x256xf32>
      %iota3A_155 = tpu.iota {dimensions = array<i32: 1>} : vector<1x256xi32>
      %reduce_max3A_156 = arith.constant dense<0xFF800000> : vector<1xf32>
      %reduce_max3A_157 = vector.multi_reduction <maximumf>, %get3A_154, %reduce_max3A_156 [1] : vector<1x256xf32> to vector<1xf32>
      %broadcast_in_dim3A_158 = vector.shape_cast %reduce_max3A_157 : vector<1xf32> to vector<1x1xf32>
      %ge3A_159 = vector.broadcast %broadcast_in_dim3A_158 : vector<1x1xf32> to vector<1x256xf32>
      %ge3A_160 = arith.cmpf oge, %get3A_154, %ge3A_159 : vector<1x256xf32>
      %jit3A_161 = arith.constant 256 : i32
      %broadcast_in_dim3A_162 = vector.broadcast %jit3A_161 : i32 to vector<1x256xi32>
      %select_n3A_163 = arith.select %ge3A_160, %iota3A_155, %broadcast_in_dim3A_162 : vector<1x256xi1>, vector<1x256xi32>
      %reduce_min3A_164 = arith.constant dense<2147483647> : vector<1xi32>
      %reduce_min3A_165 = vector.multi_reduction <minsi>, %select_n3A_163, %reduce_min3A_164 [1] : vector<1x256xi32> to vector<1xi32>
      %broadcast_in_dim3A_166 = vector.shape_cast %reduce_min3A_165 : vector<1xi32> to vector<1x1xi32>
      %eq3A_167 = vector.broadcast %broadcast_in_dim3A_166 : vector<1x1xi32> to vector<1x256xi32>
      %eq3A_168 = arith.cmpi eq, %iota3A_155, %eq3A_167 : vector<1x256xi32>
      %jit3A_169 = arith.constant -3.000000e+38 : f32
      %broadcast_in_dim3A_170 = vector.broadcast %jit3A_169 : f32 to vector<1x256xf32>
      %select_n3A_171 = arith.select %eq3A_168, %broadcast_in_dim3A_170, %get3A_154 : vector<1x256xi1>, vector<1x256xf32>
      %reduce_max3A_172 = arith.constant dense<0xFF800000> : vector<1xf32>
      %reduce_max3A_173 = vector.multi_reduction <maximumf>, %select_n3A_171, %reduce_max3A_172 [1] : vector<1x256xf32> to vector<1xf32>
      %broadcast_in_dim3A_174 = vector.shape_cast %reduce_max3A_173 : vector<1xf32> to vector<1x1xf32>
      %ge3A_175 = vector.broadcast %broadcast_in_dim3A_174 : vector<1x1xf32> to vector<1x256xf32>
      %ge3A_176 = arith.cmpf oge, %select_n3A_171, %ge3A_175 : vector<1x256xf32>
      %jit3A_177 = arith.constant 256 : i32
      %broadcast_in_dim3A_178 = vector.broadcast %jit3A_177 : i32 to vector<1x256xi32>
      %select_n3A_179 = arith.select %ge3A_176, %iota3A_155, %broadcast_in_dim3A_178 : vector<1x256xi1>, vector<1x256xi32>
      %reduce_min3A_180 = arith.constant dense<2147483647> : vector<1xi32>
      %reduce_min3A_181 = vector.multi_reduction <minsi>, %select_n3A_179, %reduce_min3A_180 [1] : vector<1x256xi32> to vector<1xi32>
      %broadcast_in_dim3A_182 = vector.shape_cast %reduce_min3A_181 : vector<1xi32> to vector<1x1xi32>
      %eq3A_183 = vector.broadcast %broadcast_in_dim3A_182 : vector<1x1xi32> to vector<1x256xi32>
      %eq3A_184 = arith.cmpi eq, %iota3A_155, %eq3A_183 : vector<1x256xi32>
      %jit3A_185 = arith.constant -3.000000e+38 : f32
      %broadcast_in_dim3A_186 = vector.broadcast %jit3A_185 : f32 to vector<1x256xf32>
      %select_n3A_187 = arith.select %eq3A_184, %broadcast_in_dim3A_186, %select_n3A_171 : vector<1x256xi1>, vector<1x256xf32>
      %reduce_max3A_188 = arith.constant dense<0xFF800000> : vector<1xf32>
      %reduce_max3A_189 = vector.multi_reduction <maximumf>, %select_n3A_187, %reduce_max3A_188 [1] : vector<1x256xf32> to vector<1xf32>
      %broadcast_in_dim3A_190 = vector.shape_cast %reduce_max3A_189 : vector<1xf32> to vector<1x1xf32>
      %ge3A_191 = vector.broadcast %broadcast_in_dim3A_190 : vector<1x1xf32> to vector<1x256xf32>
      %ge3A_192 = arith.cmpf oge, %select_n3A_187, %ge3A_191 : vector<1x256xf32>
      %jit3A_193 = arith.constant 256 : i32
      %broadcast_in_dim3A_194 = vector.broadcast %jit3A_193 : i32 to vector<1x256xi32>
      %select_n3A_195 = arith.select %ge3A_192, %iota3A_155, %broadcast_in_dim3A_194 : vector<1x256xi1>, vector<1x256xi32>
      %reduce_min3A_196 = arith.constant dense<2147483647> : vector<1xi32>
      %reduce_min3A_197 = vector.multi_reduction <minsi>, %select_n3A_195, %reduce_min3A_196 [1] : vector<1x256xi32> to vector<1xi32>
      %broadcast_in_dim3A_198 = vector.shape_cast %reduce_min3A_197 : vector<1xi32> to vector<1x1xi32>
      %eq3A_199 = vector.broadcast %broadcast_in_dim3A_198 : vector<1x1xi32> to vector<1x256xi32>
      %eq3A_200 = arith.cmpi eq, %iota3A_155, %eq3A_199 : vector<1x256xi32>
      %jit3A_201 = arith.constant -3.000000e+38 : f32
      %broadcast_in_dim3A_202 = vector.broadcast %jit3A_201 : f32 to vector<1x256xf32>
      %select_n3A_203 = arith.select %eq3A_200, %broadcast_in_dim3A_202, %select_n3A_187 : vector<1x256xi1>, vector<1x256xf32>
      %reduce_max3A_204 = arith.constant dense<0xFF800000> : vector<1xf32>
      %reduce_max3A_205 = vector.multi_reduction <maximumf>, %select_n3A_203, %reduce_max3A_204 [1] : vector<1x256xf32> to vector<1xf32>
      %broadcast_in_dim3A_206 = vector.shape_cast %reduce_max3A_205 : vector<1xf32> to vector<1x1xf32>
      %ge3A_207 = vector.broadcast %broadcast_in_dim3A_206 : vector<1x1xf32> to vector<1x256xf32>
      %ge3A_208 = arith.cmpf oge, %select_n3A_203, %ge3A_207 : vector<1x256xf32>
      %jit3A_209 = arith.constant 256 : i32
      %broadcast_in_dim3A_210 = vector.broadcast %jit3A_209 : i32 to vector<1x256xi32>
      %select_n3A_211 = arith.select %ge3A_208, %iota3A_155, %broadcast_in_dim3A_210 : vector<1x256xi1>, vector<1x256xi32>
      %reduce_min3A_212 = arith.constant dense<2147483647> : vector<1xi32>
      %reduce_min3A_213 = vector.multi_reduction <minsi>, %select_n3A_211, %reduce_min3A_212 [1] : vector<1x256xi32> to vector<1xi32>
      %broadcast_in_dim3A_214 = vector.shape_cast %reduce_min3A_213 : vector<1xi32> to vector<1x1xi32>
      %iota3A_215 = tpu.iota {dimensions = array<i32: 1>} : vector<1x384xi32>
      %shift_right_logical3A = arith.constant 4 : i32
      %shift_right_logical3A_216 = vector.broadcast %shift_right_logical3A : i32 to vector<1x384xi32>
      %shift_right_logical3A_217 = arith.shrui %iota3A_215, %shift_right_logical3A_216 : vector<1x384xi32>
      %and3A = arith.constant 15 : i32
      %and3A_218 = vector.broadcast %and3A : i32 to vector<1x384xi32>
      %and3A_219 = arith.andi %iota3A_215, %and3A_218 : vector<1x384xi32>
      %slice3A = vector.extract_strided_slice %broadcast_in_dim3A_39 {offsets = [0, 0], sizes = [1, 1], strides = [1, 1]} : vector<2x1xi32> to vector<1x1xi32>
      %broadcast_in_dim3A_220 = vector.shape_cast %slice3A : vector<1x1xi32> to vector<1x1xi32>
      %broadcast_in_dim3A_221 = vector.broadcast %broadcast_in_dim3A_220 : vector<1x1xi32> to vector<1x384xi32>
      %slice3A_222 = vector.extract_strided_slice %broadcast_in_dim3A_39 {offsets = [1, 0], sizes = [1, 1], strides = [1, 1]} : vector<2x1xi32> to vector<1x1xi32>
      %broadcast_in_dim3A_223 = vector.shape_cast %slice3A_222 : vector<1x1xi32> to vector<1x1xi32>
      %broadcast_in_dim3A_224 = vector.broadcast %broadcast_in_dim3A_223 : vector<1x1xi32> to vector<1x384xi32>
      %eq3A_225 = arith.constant 0 : i32
      %eq3A_226 = vector.broadcast %eq3A_225 : i32 to vector<1x384xi32>
      %eq3A_227 = arith.cmpi eq, %shift_right_logical3A_217, %eq3A_226 : vector<1x384xi32>
      %mul3A_228 = arith.constant 16 : i32
      %mul3A_229 = vector.broadcast %mul3A_228 : i32 to vector<1x384xi32>
      %mul3A_230 = arith.muli %broadcast_in_dim3A_221, %mul3A_229 : vector<1x384xi32>
      %jit3A_231 = arith.constant 0 : i32
      %broadcast_in_dim3A_232 = vector.broadcast %jit3A_231 : i32 to vector<1x384xi32>
      %select_n3A_233 = arith.select %eq3A_227, %mul3A_230, %broadcast_in_dim3A_232 : vector<1x384xi1>, vector<1x384xi32>
      %add3A_234 = arith.addi %and3A_219, %select_n3A_233 : vector<1x384xi32>
      %eq3A_235 = arith.constant 12 : i32
      %eq3A_236 = vector.broadcast %eq3A_235 : i32 to vector<1x384xi32>
      %eq3A_237 = arith.cmpi eq, %shift_right_logical3A_217, %eq3A_236 : vector<1x384xi32>
      %mul3A_238 = arith.constant 16 : i32
      %mul3A_239 = vector.broadcast %mul3A_238 : i32 to vector<1x384xi32>
      %mul3A_240 = arith.muli %broadcast_in_dim3A_224, %mul3A_239 : vector<1x384xi32>
      %jit3A_241 = arith.constant 0 : i32
      %broadcast_in_dim3A_242 = vector.broadcast %jit3A_241 : i32 to vector<1x384xi32>
      %select_n3A_243 = arith.select %eq3A_237, %mul3A_240, %broadcast_in_dim3A_242 : vector<1x384xi1>, vector<1x384xi32>
      %add3A_244 = arith.addi %add3A_234, %select_n3A_243 : vector<1x384xi32>
      %slice3A_245 = vector.extract_strided_slice %broadcast_in_dim3A_55 {offsets = [0, 0], sizes = [1, 1], strides = [1, 1]} : vector<2x1xi32> to vector<1x1xi32>
      %broadcast_in_dim3A_246 = vector.shape_cast %slice3A_245 : vector<1x1xi32> to vector<1x1xi32>
      %broadcast_in_dim3A_247 = vector.broadcast %broadcast_in_dim3A_246 : vector<1x1xi32> to vector<1x384xi32>
      %slice3A_248 = vector.extract_strided_slice %broadcast_in_dim3A_55 {offsets = [1, 0], sizes = [1, 1], strides = [1, 1]} : vector<2x1xi32> to vector<1x1xi32>
      %broadcast_in_dim3A_249 = vector.shape_cast %slice3A_248 : vector<1x1xi32> to vector<1x1xi32>
      %broadcast_in_dim3A_250 = vector.broadcast %broadcast_in_dim3A_249 : vector<1x1xi32> to vector<1x384xi32>
      %eq3A_251 = arith.constant 1 : i32
      %eq3A_252 = vector.broadcast %eq3A_251 : i32 to vector<1x384xi32>
      %eq3A_253 = arith.cmpi eq, %shift_right_logical3A_217, %eq3A_252 : vector<1x384xi32>
      %mul3A_254 = arith.constant 16 : i32
      %mul3A_255 = vector.broadcast %mul3A_254 : i32 to vector<1x384xi32>
      %mul3A_256 = arith.muli %broadcast_in_dim3A_247, %mul3A_255 : vector<1x384xi32>
      %jit3A_257 = arith.constant 0 : i32
      %broadcast_in_dim3A_258 = vector.broadcast %jit3A_257 : i32 to vector<1x384xi32>
      %select_n3A_259 = arith.select %eq3A_253, %mul3A_256, %broadcast_in_dim3A_258 : vector<1x384xi1>, vector<1x384xi32>
      %add3A_260 = arith.addi %add3A_244, %select_n3A_259 : vector<1x384xi32>
      %eq3A_261 = arith.constant 13 : i32
      %eq3A_262 = vector.broadcast %eq3A_261 : i32 to vector<1x384xi32>
      %eq3A_263 = arith.cmpi eq, %shift_right_logical3A_217, %eq3A_262 : vector<1x384xi32>
      %mul3A_264 = arith.constant 16 : i32
      %mul3A_265 = vector.broadcast %mul3A_264 : i32 to vector<1x384xi32>
      %mul3A_266 = arith.muli %broadcast_in_dim3A_250, %mul3A_265 : vector<1x384xi32>
      %jit3A_267 = arith.constant 0 : i32
      %broadcast_in_dim3A_268 = vector.broadcast %jit3A_267 : i32 to vector<1x384xi32>
      %select_n3A_269 = arith.select %eq3A_263, %mul3A_266, %broadcast_in_dim3A_268 : vector<1x384xi1>, vector<1x384xi32>
      %add3A_270 = arith.addi %add3A_260, %select_n3A_269 : vector<1x384xi32>
      %slice3A_271 = vector.extract_strided_slice %broadcast_in_dim3A_71 {offsets = [0, 0], sizes = [1, 1], strides = [1, 1]} : vector<2x1xi32> to vector<1x1xi32>
      %broadcast_in_dim3A_272 = vector.shape_cast %slice3A_271 : vector<1x1xi32> to vector<1x1xi32>
      %broadcast_in_dim3A_273 = vector.broadcast %broadcast_in_dim3A_272 : vector<1x1xi32> to vector<1x384xi32>
      %slice3A_274 = vector.extract_strided_slice %broadcast_in_dim3A_71 {offsets = [1, 0], sizes = [1, 1], strides = [1, 1]} : vector<2x1xi32> to vector<1x1xi32>
      %broadcast_in_dim3A_275 = vector.shape_cast %slice3A_274 : vector<1x1xi32> to vector<1x1xi32>
      %broadcast_in_dim3A_276 = vector.broadcast %broadcast_in_dim3A_275 : vector<1x1xi32> to vector<1x384xi32>
      %eq3A_277 = arith.constant 2 : i32
      %eq3A_278 = vector.broadcast %eq3A_277 : i32 to vector<1x384xi32>
      %eq3A_279 = arith.cmpi eq, %shift_right_logical3A_217, %eq3A_278 : vector<1x384xi32>
      %mul3A_280 = arith.constant 16 : i32
      %mul3A_281 = vector.broadcast %mul3A_280 : i32 to vector<1x384xi32>
      %mul3A_282 = arith.muli %broadcast_in_dim3A_273, %mul3A_281 : vector<1x384xi32>
      %jit3A_283 = arith.constant 0 : i32
      %broadcast_in_dim3A_284 = vector.broadcast %jit3A_283 : i32 to vector<1x384xi32>
      %select_n3A_285 = arith.select %eq3A_279, %mul3A_282, %broadcast_in_dim3A_284 : vector<1x384xi1>, vector<1x384xi32>
      %add3A_286 = arith.addi %add3A_270, %select_n3A_285 : vector<1x384xi32>
      %eq3A_287 = arith.constant 14 : i32
      %eq3A_288 = vector.broadcast %eq3A_287 : i32 to vector<1x384xi32>
      %eq3A_289 = arith.cmpi eq, %shift_right_logical3A_217, %eq3A_288 : vector<1x384xi32>
      %mul3A_290 = arith.constant 16 : i32
      %mul3A_291 = vector.broadcast %mul3A_290 : i32 to vector<1x384xi32>
      %mul3A_292 = arith.muli %broadcast_in_dim3A_276, %mul3A_291 : vector<1x384xi32>
      %jit3A_293 = arith.constant 0 : i32
      %broadcast_in_dim3A_294 = vector.broadcast %jit3A_293 : i32 to vector<1x384xi32>
      %select_n3A_295 = arith.select %eq3A_289, %mul3A_292, %broadcast_in_dim3A_294 : vector<1x384xi1>, vector<1x384xi32>
      %add3A_296 = arith.addi %add3A_286, %select_n3A_295 : vector<1x384xi32>
      %slice3A_297 = vector.extract_strided_slice %broadcast_in_dim3A_87 {offsets = [0, 0], sizes = [1, 1], strides = [1, 1]} : vector<2x1xi32> to vector<1x1xi32>
      %broadcast_in_dim3A_298 = vector.shape_cast %slice3A_297 : vector<1x1xi32> to vector<1x1xi32>
      %broadcast_in_dim3A_299 = vector.broadcast %broadcast_in_dim3A_298 : vector<1x1xi32> to vector<1x384xi32>
      %slice3A_300 = vector.extract_strided_slice %broadcast_in_dim3A_87 {offsets = [1, 0], sizes = [1, 1], strides = [1, 1]} : vector<2x1xi32> to vector<1x1xi32>
      %broadcast_in_dim3A_301 = vector.shape_cast %slice3A_300 : vector<1x1xi32> to vector<1x1xi32>
      %broadcast_in_dim3A_302 = vector.broadcast %broadcast_in_dim3A_301 : vector<1x1xi32> to vector<1x384xi32>
      %eq3A_303 = arith.constant 3 : i32
      %eq3A_304 = vector.broadcast %eq3A_303 : i32 to vector<1x384xi32>
      %eq3A_305 = arith.cmpi eq, %shift_right_logical3A_217, %eq3A_304 : vector<1x384xi32>
      %mul3A_306 = arith.constant 16 : i32
      %mul3A_307 = vector.broadcast %mul3A_306 : i32 to vector<1x384xi32>
      %mul3A_308 = arith.muli %broadcast_in_dim3A_299, %mul3A_307 : vector<1x384xi32>
      %jit3A_309 = arith.constant 0 : i32
      %broadcast_in_dim3A_310 = vector.broadcast %jit3A_309 : i32 to vector<1x384xi32>
      %select_n3A_311 = arith.select %eq3A_305, %mul3A_308, %broadcast_in_dim3A_310 : vector<1x384xi1>, vector<1x384xi32>
      %add3A_312 = arith.addi %add3A_296, %select_n3A_311 : vector<1x384xi32>
      %eq3A_313 = arith.constant 15 : i32
      %eq3A_314 = vector.broadcast %eq3A_313 : i32 to vector<1x384xi32>
      %eq3A_315 = arith.cmpi eq, %shift_right_logical3A_217, %eq3A_314 : vector<1x384xi32>
      %mul3A_316 = arith.constant 16 : i32
      %mul3A_317 = vector.broadcast %mul3A_316 : i32 to vector<1x384xi32>
      %mul3A_318 = arith.muli %broadcast_in_dim3A_302, %mul3A_317 : vector<1x384xi32>
      %jit3A_319 = arith.constant 0 : i32
      %broadcast_in_dim3A_320 = vector.broadcast %jit3A_319 : i32 to vector<1x384xi32>
      %select_n3A_321 = arith.select %eq3A_315, %mul3A_318, %broadcast_in_dim3A_320 : vector<1x384xi1>, vector<1x384xi32>
      %add3A_322 = arith.addi %add3A_312, %select_n3A_321 : vector<1x384xi32>
      %slice3A_323 = vector.extract_strided_slice %broadcast_in_dim3A_103 {offsets = [0, 0], sizes = [1, 1], strides = [1, 1]} : vector<2x1xi32> to vector<1x1xi32>
      %broadcast_in_dim3A_324 = vector.shape_cast %slice3A_323 : vector<1x1xi32> to vector<1x1xi32>
      %broadcast_in_dim3A_325 = vector.broadcast %broadcast_in_dim3A_324 : vector<1x1xi32> to vector<1x384xi32>
      %slice3A_326 = vector.extract_strided_slice %broadcast_in_dim3A_103 {offsets = [1, 0], sizes = [1, 1], strides = [1, 1]} : vector<2x1xi32> to vector<1x1xi32>
      %broadcast_in_dim3A_327 = vector.shape_cast %slice3A_326 : vector<1x1xi32> to vector<1x1xi32>
      %broadcast_in_dim3A_328 = vector.broadcast %broadcast_in_dim3A_327 : vector<1x1xi32> to vector<1x384xi32>
      %eq3A_329 = arith.constant 4 : i32
      %eq3A_330 = vector.broadcast %eq3A_329 : i32 to vector<1x384xi32>
      %eq3A_331 = arith.cmpi eq, %shift_right_logical3A_217, %eq3A_330 : vector<1x384xi32>
      %mul3A_332 = arith.constant 16 : i32
      %mul3A_333 = vector.broadcast %mul3A_332 : i32 to vector<1x384xi32>
      %mul3A_334 = arith.muli %broadcast_in_dim3A_325, %mul3A_333 : vector<1x384xi32>
      %jit3A_335 = arith.constant 0 : i32
      %broadcast_in_dim3A_336 = vector.broadcast %jit3A_335 : i32 to vector<1x384xi32>
      %select_n3A_337 = arith.select %eq3A_331, %mul3A_334, %broadcast_in_dim3A_336 : vector<1x384xi1>, vector<1x384xi32>
      %add3A_338 = arith.addi %add3A_322, %select_n3A_337 : vector<1x384xi32>
      %eq3A_339 = arith.constant 16 : i32
      %eq3A_340 = vector.broadcast %eq3A_339 : i32 to vector<1x384xi32>
      %eq3A_341 = arith.cmpi eq, %shift_right_logical3A_217, %eq3A_340 : vector<1x384xi32>
      %mul3A_342 = arith.constant 16 : i32
      %mul3A_343 = vector.broadcast %mul3A_342 : i32 to vector<1x384xi32>
      %mul3A_344 = arith.muli %broadcast_in_dim3A_328, %mul3A_343 : vector<1x384xi32>
      %jit3A_345 = arith.constant 0 : i32
      %broadcast_in_dim3A_346 = vector.broadcast %jit3A_345 : i32 to vector<1x384xi32>
      %select_n3A_347 = arith.select %eq3A_341, %mul3A_344, %broadcast_in_dim3A_346 : vector<1x384xi1>, vector<1x384xi32>
      %add3A_348 = arith.addi %add3A_338, %select_n3A_347 : vector<1x384xi32>
      %slice3A_349 = vector.extract_strided_slice %broadcast_in_dim3A_119 {offsets = [0, 0], sizes = [1, 1], strides = [1, 1]} : vector<2x1xi32> to vector<1x1xi32>
      %broadcast_in_dim3A_350 = vector.shape_cast %slice3A_349 : vector<1x1xi32> to vector<1x1xi32>
      %broadcast_in_dim3A_351 = vector.broadcast %broadcast_in_dim3A_350 : vector<1x1xi32> to vector<1x384xi32>
      %slice3A_352 = vector.extract_strided_slice %broadcast_in_dim3A_119 {offsets = [1, 0], sizes = [1, 1], strides = [1, 1]} : vector<2x1xi32> to vector<1x1xi32>
      %broadcast_in_dim3A_353 = vector.shape_cast %slice3A_352 : vector<1x1xi32> to vector<1x1xi32>
      %broadcast_in_dim3A_354 = vector.broadcast %broadcast_in_dim3A_353 : vector<1x1xi32> to vector<1x384xi32>
      %eq3A_355 = arith.constant 5 : i32
      %eq3A_356 = vector.broadcast %eq3A_355 : i32 to vector<1x384xi32>
      %eq3A_357 = arith.cmpi eq, %shift_right_logical3A_217, %eq3A_356 : vector<1x384xi32>
      %mul3A_358 = arith.constant 16 : i32
      %mul3A_359 = vector.broadcast %mul3A_358 : i32 to vector<1x384xi32>
      %mul3A_360 = arith.muli %broadcast_in_dim3A_351, %mul3A_359 : vector<1x384xi32>
      %jit3A_361 = arith.constant 0 : i32
      %broadcast_in_dim3A_362 = vector.broadcast %jit3A_361 : i32 to vector<1x384xi32>
      %select_n3A_363 = arith.select %eq3A_357, %mul3A_360, %broadcast_in_dim3A_362 : vector<1x384xi1>, vector<1x384xi32>
      %add3A_364 = arith.addi %add3A_348, %select_n3A_363 : vector<1x384xi32>
      %eq3A_365 = arith.constant 17 : i32
      %eq3A_366 = vector.broadcast %eq3A_365 : i32 to vector<1x384xi32>
      %eq3A_367 = arith.cmpi eq, %shift_right_logical3A_217, %eq3A_366 : vector<1x384xi32>
      %mul3A_368 = arith.constant 16 : i32
      %mul3A_369 = vector.broadcast %mul3A_368 : i32 to vector<1x384xi32>
      %mul3A_370 = arith.muli %broadcast_in_dim3A_354, %mul3A_369 : vector<1x384xi32>
      %jit3A_371 = arith.constant 0 : i32
      %broadcast_in_dim3A_372 = vector.broadcast %jit3A_371 : i32 to vector<1x384xi32>
      %select_n3A_373 = arith.select %eq3A_367, %mul3A_370, %broadcast_in_dim3A_372 : vector<1x384xi1>, vector<1x384xi32>
      %add3A_374 = arith.addi %add3A_364, %select_n3A_373 : vector<1x384xi32>
      %slice3A_375 = vector.extract_strided_slice %broadcast_in_dim3A_135 {offsets = [0, 0], sizes = [1, 1], strides = [1, 1]} : vector<2x1xi32> to vector<1x1xi32>
      %broadcast_in_dim3A_376 = vector.shape_cast %slice3A_375 : vector<1x1xi32> to vector<1x1xi32>
      %broadcast_in_dim3A_377 = vector.broadcast %broadcast_in_dim3A_376 : vector<1x1xi32> to vector<1x384xi32>
      %slice3A_378 = vector.extract_strided_slice %broadcast_in_dim3A_135 {offsets = [1, 0], sizes = [1, 1], strides = [1, 1]} : vector<2x1xi32> to vector<1x1xi32>
      %broadcast_in_dim3A_379 = vector.shape_cast %slice3A_378 : vector<1x1xi32> to vector<1x1xi32>
      %broadcast_in_dim3A_380 = vector.broadcast %broadcast_in_dim3A_379 : vector<1x1xi32> to vector<1x384xi32>
      %eq3A_381 = arith.constant 6 : i32
      %eq3A_382 = vector.broadcast %eq3A_381 : i32 to vector<1x384xi32>
      %eq3A_383 = arith.cmpi eq, %shift_right_logical3A_217, %eq3A_382 : vector<1x384xi32>
      %mul3A_384 = arith.constant 16 : i32
      %mul3A_385 = vector.broadcast %mul3A_384 : i32 to vector<1x384xi32>
      %mul3A_386 = arith.muli %broadcast_in_dim3A_377, %mul3A_385 : vector<1x384xi32>
      %jit3A_387 = arith.constant 0 : i32
      %broadcast_in_dim3A_388 = vector.broadcast %jit3A_387 : i32 to vector<1x384xi32>
      %select_n3A_389 = arith.select %eq3A_383, %mul3A_386, %broadcast_in_dim3A_388 : vector<1x384xi1>, vector<1x384xi32>
      %add3A_390 = arith.addi %add3A_374, %select_n3A_389 : vector<1x384xi32>
      %eq3A_391 = arith.constant 18 : i32
      %eq3A_392 = vector.broadcast %eq3A_391 : i32 to vector<1x384xi32>
      %eq3A_393 = arith.cmpi eq, %shift_right_logical3A_217, %eq3A_392 : vector<1x384xi32>
      %mul3A_394 = arith.constant 16 : i32
      %mul3A_395 = vector.broadcast %mul3A_394 : i32 to vector<1x384xi32>
      %mul3A_396 = arith.muli %broadcast_in_dim3A_380, %mul3A_395 : vector<1x384xi32>
      %jit3A_397 = arith.constant 0 : i32
      %broadcast_in_dim3A_398 = vector.broadcast %jit3A_397 : i32 to vector<1x384xi32>
      %select_n3A_399 = arith.select %eq3A_393, %mul3A_396, %broadcast_in_dim3A_398 : vector<1x384xi1>, vector<1x384xi32>
      %add3A_400 = arith.addi %add3A_390, %select_n3A_399 : vector<1x384xi32>
      %slice3A_401 = vector.extract_strided_slice %broadcast_in_dim3A_151 {offsets = [0, 0], sizes = [1, 1], strides = [1, 1]} : vector<2x1xi32> to vector<1x1xi32>
      %broadcast_in_dim3A_402 = vector.shape_cast %slice3A_401 : vector<1x1xi32> to vector<1x1xi32>
      %broadcast_in_dim3A_403 = vector.broadcast %broadcast_in_dim3A_402 : vector<1x1xi32> to vector<1x384xi32>
      %slice3A_404 = vector.extract_strided_slice %broadcast_in_dim3A_151 {offsets = [1, 0], sizes = [1, 1], strides = [1, 1]} : vector<2x1xi32> to vector<1x1xi32>
      %broadcast_in_dim3A_405 = vector.shape_cast %slice3A_404 : vector<1x1xi32> to vector<1x1xi32>
      %broadcast_in_dim3A_406 = vector.broadcast %broadcast_in_dim3A_405 : vector<1x1xi32> to vector<1x384xi32>
      %eq3A_407 = arith.constant 7 : i32
      %eq3A_408 = vector.broadcast %eq3A_407 : i32 to vector<1x384xi32>
      %eq3A_409 = arith.cmpi eq, %shift_right_logical3A_217, %eq3A_408 : vector<1x384xi32>
      %mul3A_410 = arith.constant 16 : i32
      %mul3A_411 = vector.broadcast %mul3A_410 : i32 to vector<1x384xi32>
      %mul3A_412 = arith.muli %broadcast_in_dim3A_403, %mul3A_411 : vector<1x384xi32>
      %jit3A_413 = arith.constant 0 : i32
      %broadcast_in_dim3A_414 = vector.broadcast %jit3A_413 : i32 to vector<1x384xi32>
      %select_n3A_415 = arith.select %eq3A_409, %mul3A_412, %broadcast_in_dim3A_414 : vector<1x384xi1>, vector<1x384xi32>
      %add3A_416 = arith.addi %add3A_400, %select_n3A_415 : vector<1x384xi32>
      %eq3A_417 = arith.constant 19 : i32
      %eq3A_418 = vector.broadcast %eq3A_417 : i32 to vector<1x384xi32>
      %eq3A_419 = arith.cmpi eq, %shift_right_logical3A_217, %eq3A_418 : vector<1x384xi32>
      %mul3A_420 = arith.constant 16 : i32
      %mul3A_421 = vector.broadcast %mul3A_420 : i32 to vector<1x384xi32>
      %mul3A_422 = arith.muli %broadcast_in_dim3A_406, %mul3A_421 : vector<1x384xi32>
      %jit3A_423 = arith.constant 0 : i32
      %broadcast_in_dim3A_424 = vector.broadcast %jit3A_423 : i32 to vector<1x384xi32>
      %select_n3A_425 = arith.select %eq3A_419, %mul3A_422, %broadcast_in_dim3A_424 : vector<1x384xi1>, vector<1x384xi32>
      %add3A_426 = arith.addi %add3A_416, %select_n3A_425 : vector<1x384xi32>
      %broadcast_in_dim3A_427 = vector.shape_cast %broadcast_in_dim3A_166 : vector<1x1xi32> to vector<1x1xi32>
      %broadcast_in_dim3A_428 = vector.broadcast %broadcast_in_dim3A_427 : vector<1x1xi32> to vector<1x384xi32>
      %eq3A_429 = arith.constant 8 : i32
      %eq3A_430 = vector.broadcast %eq3A_429 : i32 to vector<1x384xi32>
      %eq3A_431 = arith.cmpi eq, %shift_right_logical3A_217, %eq3A_430 : vector<1x384xi32>
      %mul3A_432 = arith.constant 16 : i32
      %mul3A_433 = vector.broadcast %mul3A_432 : i32 to vector<1x384xi32>
      %mul3A_434 = arith.muli %broadcast_in_dim3A_428, %mul3A_433 : vector<1x384xi32>
      %jit3A_435 = arith.constant 0 : i32
      %broadcast_in_dim3A_436 = vector.broadcast %jit3A_435 : i32 to vector<1x384xi32>
      %select_n3A_437 = arith.select %eq3A_431, %mul3A_434, %broadcast_in_dim3A_436 : vector<1x384xi1>, vector<1x384xi32>
      %add3A_438 = arith.addi %add3A_426, %select_n3A_437 : vector<1x384xi32>
      %eq3A_439 = arith.constant 20 : i32
      %eq3A_440 = vector.broadcast %eq3A_439 : i32 to vector<1x384xi32>
      %eq3A_441 = arith.cmpi eq, %shift_right_logical3A_217, %eq3A_440 : vector<1x384xi32>
      %mul3A_442 = arith.constant 16 : i32
      %mul3A_443 = vector.broadcast %mul3A_442 : i32 to vector<1x384xi32>
      %mul3A_444 = arith.muli %broadcast_in_dim3A_428, %mul3A_443 : vector<1x384xi32>
      %jit3A_445 = arith.constant 0 : i32
      %broadcast_in_dim3A_446 = vector.broadcast %jit3A_445 : i32 to vector<1x384xi32>
      %select_n3A_447 = arith.select %eq3A_441, %mul3A_444, %broadcast_in_dim3A_446 : vector<1x384xi1>, vector<1x384xi32>
      %add3A_448 = arith.addi %add3A_438, %select_n3A_447 : vector<1x384xi32>
      %broadcast_in_dim3A_449 = vector.shape_cast %broadcast_in_dim3A_182 : vector<1x1xi32> to vector<1x1xi32>
      %broadcast_in_dim3A_450 = vector.broadcast %broadcast_in_dim3A_449 : vector<1x1xi32> to vector<1x384xi32>
      %eq3A_451 = arith.constant 9 : i32
      %eq3A_452 = vector.broadcast %eq3A_451 : i32 to vector<1x384xi32>
      %eq3A_453 = arith.cmpi eq, %shift_right_logical3A_217, %eq3A_452 : vector<1x384xi32>
      %mul3A_454 = arith.constant 16 : i32
      %mul3A_455 = vector.broadcast %mul3A_454 : i32 to vector<1x384xi32>
      %mul3A_456 = arith.muli %broadcast_in_dim3A_450, %mul3A_455 : vector<1x384xi32>
      %jit3A_457 = arith.constant 0 : i32
      %broadcast_in_dim3A_458 = vector.broadcast %jit3A_457 : i32 to vector<1x384xi32>
      %select_n3A_459 = arith.select %eq3A_453, %mul3A_456, %broadcast_in_dim3A_458 : vector<1x384xi1>, vector<1x384xi32>
      %add3A_460 = arith.addi %add3A_448, %select_n3A_459 : vector<1x384xi32>
      %eq3A_461 = arith.constant 21 : i32
      %eq3A_462 = vector.broadcast %eq3A_461 : i32 to vector<1x384xi32>
      %eq3A_463 = arith.cmpi eq, %shift_right_logical3A_217, %eq3A_462 : vector<1x384xi32>
      %mul3A_464 = arith.constant 16 : i32
      %mul3A_465 = vector.broadcast %mul3A_464 : i32 to vector<1x384xi32>
      %mul3A_466 = arith.muli %broadcast_in_dim3A_450, %mul3A_465 : vector<1x384xi32>
      %jit3A_467 = arith.constant 0 : i32
      %broadcast_in_dim3A_468 = vector.broadcast %jit3A_467 : i32 to vector<1x384xi32>
      %select_n3A_469 = arith.select %eq3A_463, %mul3A_466, %broadcast_in_dim3A_468 : vector<1x384xi1>, vector<1x384xi32>
      %add3A_470 = arith.addi %add3A_460, %select_n3A_469 : vector<1x384xi32>
      %broadcast_in_dim3A_471 = vector.shape_cast %broadcast_in_dim3A_198 : vector<1x1xi32> to vector<1x1xi32>
      %broadcast_in_dim3A_472 = vector.broadcast %broadcast_in_dim3A_471 : vector<1x1xi32> to vector<1x384xi32>
      %eq3A_473 = arith.constant 10 : i32
      %eq3A_474 = vector.broadcast %eq3A_473 : i32 to vector<1x384xi32>
      %eq3A_475 = arith.cmpi eq, %shift_right_logical3A_217, %eq3A_474 : vector<1x384xi32>
      %mul3A_476 = arith.constant 16 : i32
      %mul3A_477 = vector.broadcast %mul3A_476 : i32 to vector<1x384xi32>
      %mul3A_478 = arith.muli %broadcast_in_dim3A_472, %mul3A_477 : vector<1x384xi32>
      %jit3A_479 = arith.constant 0 : i32
      %broadcast_in_dim3A_480 = vector.broadcast %jit3A_479 : i32 to vector<1x384xi32>
      %select_n3A_481 = arith.select %eq3A_475, %mul3A_478, %broadcast_in_dim3A_480 : vector<1x384xi1>, vector<1x384xi32>
      %add3A_482 = arith.addi %add3A_470, %select_n3A_481 : vector<1x384xi32>
      %eq3A_483 = arith.constant 22 : i32
      %eq3A_484 = vector.broadcast %eq3A_483 : i32 to vector<1x384xi32>
      %eq3A_485 = arith.cmpi eq, %shift_right_logical3A_217, %eq3A_484 : vector<1x384xi32>
      %mul3A_486 = arith.constant 16 : i32
      %mul3A_487 = vector.broadcast %mul3A_486 : i32 to vector<1x384xi32>
      %mul3A_488 = arith.muli %broadcast_in_dim3A_472, %mul3A_487 : vector<1x384xi32>
      %jit3A_489 = arith.constant 0 : i32
      %broadcast_in_dim3A_490 = vector.broadcast %jit3A_489 : i32 to vector<1x384xi32>
      %select_n3A_491 = arith.select %eq3A_485, %mul3A_488, %broadcast_in_dim3A_490 : vector<1x384xi1>, vector<1x384xi32>
      %add3A_492 = arith.addi %add3A_482, %select_n3A_491 : vector<1x384xi32>
      %broadcast_in_dim3A_493 = vector.shape_cast %broadcast_in_dim3A_214 : vector<1x1xi32> to vector<1x1xi32>
      %broadcast_in_dim3A_494 = vector.broadcast %broadcast_in_dim3A_493 : vector<1x1xi32> to vector<1x384xi32>
      %eq3A_495 = arith.constant 11 : i32
      %eq3A_496 = vector.broadcast %eq3A_495 : i32 to vector<1x384xi32>
      %eq3A_497 = arith.cmpi eq, %shift_right_logical3A_217, %eq3A_496 : vector<1x384xi32>
      %mul3A_498 = arith.constant 16 : i32
      %mul3A_499 = vector.broadcast %mul3A_498 : i32 to vector<1x384xi32>
      %mul3A_500 = arith.muli %broadcast_in_dim3A_494, %mul3A_499 : vector<1x384xi32>
      %jit3A_501 = arith.constant 0 : i32
      %broadcast_in_dim3A_502 = vector.broadcast %jit3A_501 : i32 to vector<1x384xi32>
      %select_n3A_503 = arith.select %eq3A_497, %mul3A_500, %broadcast_in_dim3A_502 : vector<1x384xi1>, vector<1x384xi32>
      %add3A_504 = arith.addi %add3A_492, %select_n3A_503 : vector<1x384xi32>
      %eq3A_505 = arith.constant 23 : i32
      %eq3A_506 = vector.broadcast %eq3A_505 : i32 to vector<1x384xi32>
      %eq3A_507 = arith.cmpi eq, %shift_right_logical3A_217, %eq3A_506 : vector<1x384xi32>
      %mul3A_508 = arith.constant 16 : i32
      %mul3A_509 = vector.broadcast %mul3A_508 : i32 to vector<1x384xi32>
      %mul3A_510 = arith.muli %broadcast_in_dim3A_494, %mul3A_509 : vector<1x384xi32>
      %jit3A_511 = arith.constant 0 : i32
      %broadcast_in_dim3A_512 = vector.broadcast %jit3A_511 : i32 to vector<1x384xi32>
      %select_n3A_513 = arith.select %eq3A_507, %mul3A_510, %broadcast_in_dim3A_512 : vector<1x384xi1>, vector<1x384xi32>
      %add3A_514 = arith.addi %add3A_504, %select_n3A_513 : vector<1x384xi32>
      %swap3A_515 = arith.constant 0 : index
      %swap3A_516 = arith.constant 0 : index
      %swap3A_517 = vector.load %arg6[%swap3A_515, %swap3A_516] : memref<1x384xi32, #tpu.memory_space<vmem>>, vector<1x384xi32>
      tpu.vector_store %arg6[%swap3A_515, %swap3A_516], %add3A_514 {strides = array<i32>} : memref<1x384xi32, #tpu.memory_space<vmem>>, vector<1x384xi32>,
    } else {
    }
    return
  }
  func.func @transform_0(%arg0: i32) -> (i32, i32, i32) {
    %c0_i32 = arith.constant 0 : i32
    %c0_i32_0 = arith.constant 0 : i32
    %c0_i32_1 = arith.constant 0 : i32
    return %c0_i32, %arg0, %c0_i32_0 : i32, i32, i32
  }
  func.func @transform_1(%arg0: i32) -> (i32, i32) {
    %c0_i32 = arith.constant 0 : i32
    %c0_i32_0 = arith.constant 0 : i32
    %c0_i32_1 = arith.constant 0 : i32
    return %c0_i32, %c0_i32_0 : i32, i32
  }
  func.func @transform_2(%arg0: i32) -> (i32, i32) {
    %c0_i32 = arith.constant 0 : i32
    %c0_i32_0 = arith.constant 0 : i32
    %c0_i32_1 = arith.constant 0 : i32
    return %c0_i32, %c0_i32_0 : i32, i32
  }
  func.func @transform_3(%arg0: i32) -> (i32, i32) {
    %c0_i32 = arith.constant 0 : i32
    %c0_i32_0 = arith.constant 0 : i32
    %c0_i32_1 = arith.constant 0 : i32
    return %c0_i32, %c0_i32_0 : i32, i32
  }
  func.func @transform_4(%arg0: i32) -> (i32, i32) {
    %c0_i32 = arith.constant 0 : i32
    %c0_i32_0 = arith.constant 0 : i32
    %c0_i32_1 = arith.constant 0 : i32
    return %c0_i32, %c0_i32_0 : i32, i32
  }
  func.func @transform_5(%arg0: i32) -> (i32, i32) {
    %c0_i32 = arith.constant 0 : i32
    %c0_i32_0 = arith.constant 0 : i32
    %c0_i32_1 = arith.constant 0 : i32
    return %c0_i32, %c0_i32_0 : i32, i32
  }
}

</mosaic_0001>

<sc_bundles>
// kernel: kernel.5.cloned.1.call-start
scs
__scs_entry_jumppad:
0x0: {  	(pc) =	sbr.rel $0x88, $3  }
0x1: {  	(tag) =	ssettag $0x0;
	lr =	simm.s32 $0x1  }
0x2: {  	[smem:$0x3F95] =	sst lr;
	_ =	strace $0xD0000000  }
0x3: {  	_ = 	snop  }
0x4: {  	_ = 	snop  }
0x5: {  	_ = 	snop  }
0x6: {  	_ = 	snop  }
0x7: {  	_ = 	snop  }
__scs_overlays_trampoline_lowered:
0x8: {  	[smem:$0x3FA4] =	sst s0  }
0x9: {  	[smem:$0x3FA5] =	sst s1  }
0xa: {  	[smem:$0x3FA6] =	sst s2  }
0xb: {  	[smem:$0x3FA7] =	sst s3  }
0xc: {  	[smem:$0x3FA8] =	sst s4  }
0xd: {  	[smem:$0x3FA9] =	sst s5  }
0xe: {  	[smem:$0x3FAA] =	sst s6  }
0xf: {  	[smem:$0x3FAB] =	sst s7  }
0x10: {  	[smem:$0x3FAC] =	sst s8  }
0x11: {  	[smem:$0x3FAD] =	sst s9;
	s0 =	simm.s32 @!p0 $0x0  }
0x12: {  	s1 =	sld [smem:$0x3F93];
	s0 =	simm.s32 @p0 $0x1  }
0x13: {  	[smem:$0x3FAE] =	sst s0;
	s0 =	simm.s32 @!p1 $0x0  }
0x14: {  	s2 =	sld [smem:$0x3F92];
	s0 =	simm.s32 @p1 $0x1  }
0x15: {  	[smem:$0x3FAF] =	sst s0;
	s0 =	simm.s32 @!p2 $0x0  }
0x16: {  	s3 =	sld [smem:$0x3FDB];
	s0 =	simm.s32 @p2 $0x1  }
0x17: {  	s4 =	simm.s32 $0x1BF5;
	[smem:$0x3FB1] =	sst s0  }
0x18: {  	s0 =	sld [smem:$0x3F94];
	_ =	swait.ge [sflag:s4], $0x0  }
0x19: {  	s7 =	sld [smem:$0x3F95]  }
0x1a: {  	s8 =	sadd.s32 $0xFFFFE003, lr  }
0x1b: {  	s9 =	sadd.s32 $0xFFFFFEF7, lr;
	s5 =	simm.s32 $0xFFFFFFFF;
	p2 =	slt.u32 s8, $0xFFFFF086  }
0x1c: {  	p1 =	slt.u32 s9, $0xF7A;
	s5 =	simm.s32 @!p2 $0x0  }
0x1d: {  	s5 =	simm.s32 @p1 $0x1;
	p0 =	seq.s32 s7, s2  }
0x1e: {  	s7 =	smul.u32 @!p0 $0xF7A, s2;
	p2 =	seq.s32 @!p0 s5, $0x0  }
0x1f: {  	s9 =	smul.u32 $0xF7A, s1;
	s8 =	simm.s32 @!p0 $0x1BF5;
	p2 =	por !p2, p0  }
0x20: {  	[sflag:s8] =	ssyncset.s32 @!p0 $0xFFFFF086;
	s6 =	sadd.s32 @!p0 s3, s7;
	s7 =	simm.s32 @!p0 $0x108  }
0x21: {  	s3 =	sadd.s32 s3, s9;
	s6 =	sadd.s32 @!p0 $0x88, s6;
	s7 =	simm.s32 @p2 $0x1082  }
0x22: {  	[simem:s7], [sflag:s8] =	dma.local @!p0 [hbm:s6], $0xF7A  }
0x23: {  	s9 =	sor.u32 $0xD0000000, s2;
	s6 =	simm.s32 $0x108;
	_ =	swait.ge @!p0 [sflag:s8], $0x0  }
0x24: {  	s3 =	sadd.s32 $0x88, s3;
	s6 =	simm.s32 @!p1 $0x1082;
	[sflag:s4] =	ssyncset.s32 $0xFFFFF086  }
0x25: {  	[simem:s6], [sflag:s4] =	dma.local [hbm:s3], $0xF7A  }
0x26: {  	[smem:$0x3F95] =	sst s1;
	(tag) =	ssettag s2;
	_ =	strace s9  }
0x27: {  	s1 =	sld [smem:$0x3FA5]  }
0x28: {  	s2 =	sld [smem:$0x3FA6]  }
0x29: {  	s4 =	sld [smem:$0x3FA8]  }
0x2a: {  	p0 =	seq.s32 s5, $0x0;
	s5 =	sld [smem:$0x3FA9]  }
0x2b: {  	s6 =	sld [smem:$0x3FAA]  }
0x2c: {  	s7 =	sld [smem:$0x3FAB]  }
0x2d: {  	s3 =	simm.s32 $0x108;
	s8 =	sld [smem:$0x3FAC]  }
0x2e: {  	s3 =	simm.s32 @!p0 $0x1082;
	s9 =	sld [smem:$0x3FAD]  }
0x2f: {  	lr =	sadd.s32 s0, s3;
	s0 =	sld [smem:$0x3FA4]  }
0x30: {  	s3 =	sld [smem:$0x3FA7]  }
0x31: {  	[smem:$0x3FB0] =	sst s10  }
0x32: {  	s10 =	sld [smem:$0x3FAE];
	_ =	sdelay $0x3  }
0x33: {  	p0 =	seq.s32 s10, $0x1;
	s10 =	sld [smem:$0x3FB0];
	_ =	sdelay $0x3  }
0x34: {  	[smem:$0x3FB0] =	sst s10  }
0x35: {  	s10 =	sld [smem:$0x3FAF];
	_ =	sdelay $0x3  }
0x36: {  	p1 =	seq.s32 s10, $0x1;
	s10 =	sld [smem:$0x3FB0];
	_ =	sdelay $0x3  }
0x37: {  	[smem:$0x3FB0] =	sst s10  }
0x38: {  	s10 =	sld [smem:$0x3FB1]  }
0x39: {  	_ = 	snop;
	(pc) =	sbr.ind lr, $3  }
0x3a: {  	_ = 	snop  }
0x3b: {  	_ = 	snop  }
0x3c: {  	p2 =	seq.s32 s10, $0x1;
	s10 =	sld [smem:$0x3FB0]  }
0x3d: {  	_ =	shalt  }
0x3e: {  	_ =	shalt  }
0x3f: {  	_ =	shalt  }
0x40: {  	_ =	shalt  }
0x41: {  	_ =	shalt  }
0x42: {  	_ =	shalt  }
0x43: {  	_ =	shalt  }
0x44: {  	_ =	shalt  }
0x45: {  	_ =	shalt  }
0x46: {  	_ =	shalt  }
0x47: {  	_ =	shalt  }
0x48: {  	_ =	shalt  }
0x49: {  	_ =	shalt  }
0x4a: {  	_ =	shalt  }
0x4b: {  	_ =	shalt  }
0x4c: {  	_ =	shalt  }
0x4d: {  	_ =	shalt  }
0x4e: {  	_ =	shalt  }
0x4f: {  	_ =	shalt  }
0x50: {  	_ =	shalt  }
0x51: {  	_ =	shalt  }
0x52: {  	_ =	shalt  }
0x53: {  	_ =	shalt  }
0x54: {  	_ =	shalt  }
0x55: {  	_ =	shalt  }
0x56: {  	_ =	shalt  }
0x57: {  	_ =	shalt  }
0x58: {  	_ =	shalt  }
0x59: {  	_ =	shalt  }
0x5a: {  	_ =	shalt  }
0x5b: {  	_ =	shalt  }
0x5c: {  	_ =	shalt  }
0x5d: {  	_ =	shalt  }
0x5e: {  	_ =	shalt  }
0x5f: {  	_ =	shalt  }
0x60: {  	_ =	shalt  }
0x61: {  	_ =	shalt  }
0x62: {  	_ =	shalt  }
0x63: {  	_ =	shalt  }
0x64: {  	_ =	shalt  }
0x65: {  	_ =	shalt  }
0x66: {  	_ =	shalt  }
0x67: {  	_ =	shalt  }
0x68: {  	_ =	shalt  }
0x69: {  	_ =	shalt  }
0x6a: {  	_ =	shalt  }
0x6b: {  	_ =	shalt  }
0x6c: {  	_ =	shalt  }
0x6d: {  	_ =	shalt  }
0x6e: {  	_ =	shalt  }
0x6f: {  	_ =	shalt  }
0x70: {  	_ =	shalt  }
0x71: {  	_ =	shalt  }
0x72: {  	_ =	shalt  }
0x73: {  	_ =	shalt  }
0x74: {  	_ =	shalt  }
0x75: {  	_ =	shalt  }
0x76: {  	_ =	shalt  }
0x77: {  	_ =	shalt  }
0x78: {  	_ =	shalt  }
0x79: {  	_ =	shalt  }
0x7a: {  	_ =	shalt  }
0x7b: {  	_ =	shalt  }
0x7c: {  	_ =	shalt  }
0x7d: {  	_ =	shalt  }
0x7e: {  	_ =	shalt  }
0x7f: {  	_ =	shalt  }
0x80: {  	_ =	shalt  }
0x81: {  	_ =	shalt  }
0x82: {  	_ =	shalt  }
0x83: {  	_ =	shalt  }
0x84: {  	_ =	shalt  }
0x85: {  	_ =	shalt  }
0x86: {  	_ =	shalt  }
0x87: {  	_ =	shalt  }
.Lfunc_end0:
.L_simem_size_0:
called_computation_lowered:
.L_overlay_start_0:
0x88: {  	s2 =	sld [smem:$0x3FD9]  }
0x89: {  	s3 =	sld [smem:$0x3FFE];
	_ =	sdelay $0x1  }
0x8a: {  	s1 =	srdreg.scid  }
0x8b: {  	s0 =	sand.u32 $0x1, s1  }
0x8c: {  	s15 =	sshll.u32 s0, $0xA;
	s2 =	sadd.s32 s3, s2  }
0x8d: {  	s2 =	sadd.s32 s2, s15  }
0x8e: {  	[smem:$0x3FBC] =	sst s2  }
0x8f: {  	_ = 	snop  }
0x90: {  	s2 =	sld [smem:$0x3FD0];
	_ =	sdelay $0x2  }
0x91: {  	s4 =	simm.s32 $0xA;
	s5 =	simm.s32 $0x10;
	s16 =	sld [smem:$0x3FBF]  }
0x92: {  	[smem:s5], [sflag:s4] =	dma.local [hbm:s2], $0x1  }
0x93: {  	_ =	swait.eq [sflag:s4], $0x1  }
0x94: {  	[sflag:s4] =	ssyncset.done $0x0  }
0x95: {  	s17 =	sld [smem:$0x10];
	[sflag:s4] =	ssyncadd.s32 $0xFFFFFFFF  }
0x96: {  	s18 =	sld [smem:$0x12];
	(tm) =	ssettm $0x1  }
0x97: {  	s19 =	sld [smem:$0x3FFB];
	_ =	sdelay $0x3  }
0x98: {  	_ =	strace s19  }
0x99: {  	s5 =	sld [smem:$0x3FFC];
	_ =	sdelay $0x3  }
0x9a: {  	_ =	strace s5  }
0x9b: {  	s5 =	sld [smem:$0x3FFD];
	_ =	sdelay $0x3  }
0x9c: {  	_ =	strace s5  }
0x9d: {  	_ =	strace $0x8FFFFFFF  }
0x9e: {  	s20 =	sld [smem:$0x3FDB];
	_ =	sdelay $0x1  }
0x9f: {  	s6 =	simm.s32 $_scs_section_size  }
0xa0: {  	s7 =	simm.s32 $_size__tile_overlayer_lowered;
	s8 =	simm.s32 $_tile_overlayer_lowered  }
0xa1: {  	s23 =	simm.s32 $0x1BFF;
	s22 =	sshll.u32 s8, $0x1;
	s5 =	sadd.s32 s6, s20  }
0xa2: {  	s9 =	simm.s32 $0x0;
	s21 =	sshll.u32 s7, $0x1;
	s7 =	sadd.s32 s22, s5  }
0xa3: {  	[timem:s9], [sflag:s23] =	dma.local [hbm:s7], s21  }
0xa4: {  	_ =	swait.ge [sflag:s23], s21  }
0xa5: {  	s6 =	ssub.s32 $0x0, s21;
	[sflag:s23] =	ssyncset.done $0x0  }
0xa6: {  	[sflag:s23] =	ssyncadd.s32 s6;
	_ =	sdelay $0x1  }
0xa7: {  	s24 =	simm.s32 $0x1B8B  }
0xa8: {  	_ =	swait.ge [sflag:s24], $0x1  }
0xa9: {  	[sflag:s24] =	ssyncset.done $0x0  }
0xaa: {  	s25 =	simm.s32 $0x1B8E;
	[sflag:s24] =	ssyncadd.s32 $0xFFFFFFFF  }
0xab: {  	s26 =	simm.s32 $execute0_lowered;
	[smem:$0x3FD2] =	sst s25  }
0xac: {  	s6 =	sshll.u32 s26, $0x1;
	_ =	strace $0x80000046;
	[dreg:$0x1] =	wrdreg $0xFFFFFFFF  }
0xad: {  	s28 =	simm.s32 $_size_execute0_lowered;
	s5 =	sadd.s32 s5, s6;
	[dreg:$0x0] =	wrdreg $0x0  }
0xae: {  	s6 =	sshll.u32 s28, $0x1;
	[dreg:$0x2] =	wrdreg s5  }
0xaf: {  	[dreg:$0x3] =	wrdreg s6  }
0xb0: {  	[dreg:$0x4] =	wrdreg $0xC0  }
0xb1: {  	_ =	task [dreg:s9], $0x5FFFF  }
0xb2: {  	[dreg:$0x1] =	wrdreg $0xFFFFFFFF  }
0xb3: {  	[dreg:$0x0] =	wrdreg $0x60  }
0xb4: {  	[dreg:$0x2] =	wrdreg s16  }
0xb5: {  	[dreg:$0x3] =	wrdreg s18  }
0xb6: {  	[dreg:$0x4] =	wrdreg s17  }
0xb7: {  	[dreg:$0x5] =	wrdreg $0x9  }
0xb8: {  	_ =	task.clear_ibuf [dreg:s9], $0x6FFFF;
	_ =	strace $0x90000046  }
0xb9: {  	s29 =	simm.s32 $0x9;
	_ =	strace $0x80000048  }
0xba: {  	_ =	swait.ge [sflag:s29], $0x1  }
0xbb: {  	[sflag:s29] =	ssyncadd.s32 $0xFFFFFFFF  }
0xbc: {  	_ =	strace $0x90000048  }
0xbd: {  	_ =	sfence  }
0xbe: {  	s30 =	sld [smem:$0x0];
	_ =	sdelay $0x2  }
0xbf: {  	s31 =	sshll.u32 s1, $0xD;
	s1 =	sshrl.u32 s1, $0x2  }
0xc0: {  	s3 =	sand.u32 $0x4000, s31;
	s1 =	sadd.s32 s1, s30  }
0xc1: {  	s0 =	sor.u32 s3, s0;
	s1 =	sshll.u32 s1, $0x11  }
0xc2: {  	s0 =	sor.u32 s1, s0  }
0xc3: {  	s0 =	sadd.s32 $0x8F2B, s0  }
0xc4: {  	[sflag:s0] =	ssyncadd.remote.s32 $0x1  }
0xc5: {  	_ =	sfence.sel $0xFFFF  }
0xc6: {  	[dreg:$0x0] =	wrdreg $0xFFFFFFFF;
	(pc) =	sbr.abs _section_cstart, $3  }
0xc7: {  	[dreg:$0x1] =	wrdreg $0xFFFFFFFF  }
0xc8: {  	_ =	task.clear_ibuf [dreg:s9], $0x2FFFF;
	_ =	strace $0x9FFFFFFF  }
0xc9: {  	(tm) =	ssettm $0x7FFFFFFF  }
tec
execute0_lowered:
.L_overlay_start_1:
0x0: {  	(tag) =	ssettag $0x1  }
0x1: {  	s1 =	stileid.u32  }
0x2: {  	p0 =	sgt.u32 s1, $0xB  }
.Ltmp0:
0x3: {  	s2 =	rddreg [dreg:$0x0];
	(pc) =	sbr.rel @p0 .LBB2_4-.Ltmp0, $4  }
0x4: {  	s4 =	rddreg [dreg:$0x1]  }
0x5: {  	s18 =	rddreg [dreg:$0x2];
	s3 =	simm.s32 $0x0  }
0x6: {  	[smem:$0x7FF] =	sst s3  }
0x7: {  	s0 =	rddreg [dreg:$0x3];
	_ =	strace $0x80000047  }
0x8: {  	s5 =	srdreg.scid  }
0x9: {  	s30 =	sshll.u32 s1, $0x1;
	s16 =	sand.u32 $0x1, s5  }
0xa: {  	s19 =	sor.u32 s16, s30  }
0xb: {  	s5 =	sshll.u32 s19, $0x1  }
0xc: {  	s5 =	sadd.s32 s4, s5;
	s4 =	simm.s32 $0x2  }
0xd: {  	[tilespmem:s3], [sflag:$0x2] =	stream.linear.gather [hbm4b:s5+s3], $0x10, $0x38;
	[tilespmem:$0x4080] =	vst v63  }
0xe: {  	_ =	swait.ge [sflag:s4], $0x10  }
0xf: {  	[sflag:s4] =	ssyncset.done $0x0  }
0x10: {  	[sflag:s4] =	ssyncadd.s32 $0xFFFFFFF0  }
0x11: {  	v0 =	vld [tilespmem:$0x0];
	_ =	sdelay $0x4  }
0x12: {  	v1 =	vshll.u32 v0, $0x3  }
0x13: {  	v2 =	vlaneseq.u32;
	v3 =	vand.u32 $0x7, v0;
	v1 =	vand.u32 $0xFFFFFFC0, v1  }
0x14: {  	v4 =	vshrl.u32 v2, $0x3;
	v0 =	vand.u32 $0x7, v2;
	v3 =	vor.u32 v3, v1  }
0x15: {  	v1 =	vmul.u32 $0x8, v4;
	v63 =	vperm.xlane v3, v0;
	_ =	sdelay $0x1  }
0x16: {  	v4 =	vadd.s32 v1, v63;
	_ =	sdelay $0x3  }
0x17: {  	vm0 =	vmmov $0xffff;
	s6 =	simm.s32 $0x80  }
0x18: {  	v2 =	vor.u32 $0x8, v2;
	[tilespmem:s6], [sflag:$0x1] =	stream.indirect_vreg.gather [hbm4b:s2+s3], $0x80, v4, vm0, $0xb8;
	[tilespmem:$0x4080] =	vst v63  }
0x19: {  	s7 =	sadd.s32 $0x100, s2;
	s8 =	simm.s32 $0x880;
	v3 =	vperm.xlane v3, v2  }
0x1a: {  	[tilespmem:s8], [sflag:$0x1] =	stream.indirect_vreg.gather [hbm4b:s7+s3], $0x80, v4, vm0, $0xb8;
	[tilespmem:$0x4080] =	vst v63  }
0x1b: {  	s9 =	sadd.s32 $0x200, s2;
	s10 =	simm.s32 $0x1080;
	v3 =	vadd.s32 v1, v3  }
0x1c: {  	[tilespmem:s10], [sflag:$0x1] =	stream.indirect_vreg.gather [hbm4b:s9+s3], $0x80, v4, vm0, $0xb8;
	[tilespmem:$0x4080] =	vst v63  }
0x1d: {  	s11 =	sadd.s32 $0x300, s2;
	s12 =	simm.s32 $0x1880  }
0x1e: {  	[tilespmem:s12], [sflag:$0x1] =	stream.indirect_vreg.gather [hbm4b:s11+s3], $0x80, v4, vm0, $0xb8;
	[tilespmem:$0x4080] =	vst v63  }
0x1f: {  	s13 =	simm.s32 $0x2080;
	s20 =	ssub.s32 $0x2, s16  }
0x20: {  	[tilespmem:s13], [sflag:$0x1] =	stream.indirect_vreg.gather [hbm4b:s2+s3], $0x80, v3, vm0, $0xb8;
	[tilespmem:$0x4080] =	vst v63  }
0x21: {  	s14 =	simm.s32 $0x2880;
	s21 =	sshrl.u32 s20, $0x1  }
0x22: {  	[tilespmem:s14], [sflag:$0x1] =	stream.indirect_vreg.gather [hbm4b:s7+s3], $0x80, v3, vm0, $0xb8;
	[tilespmem:$0x4080] =	vst v63  }
0x23: {  	s15 =	simm.s32 $0x3080;
	s20 =	ssub.s32 s20, s21  }
0x24: {  	[tilespmem:s15], [sflag:$0x1] =	stream.indirect_vreg.gather [hbm4b:s9+s3], $0x80, v3, vm0, $0xb8;
	[tilespmem:$0x4080] =	vst v63  }
0x25: {  	s17 =	simm.s32 $0x1;
	s16 =	simm.s32 $0x3880;
	s31 =	smax.u32 s20, $0x1  }
0x26: {  	[tilespmem:s16], [sflag:$0x1] =	stream.indirect_vreg.gather [hbm4b:s11+s3], $0x80, v3, vm0, $0xb8;
	[tilespmem:$0x4080] =	vst v63  }
0x27: {  	p0 =	sne.s32 s31, $0x1;
	_ =	swait.ge [sflag:s17], $0x4000  }
.Ltmp1:
0x28: {  	s19 =	sshll.u32 s19, $0xB;
	[sflag:s17] =	ssyncset.done $0x0;
	(pc) =	sbr.rel @!p0 .LBB2_3-.Ltmp1, $4  }
0x29: {  	s18 =	sadd.s32 s18, s19;
	[sflag:s17] =	ssyncadd.s32 $0xFFFFC000  }
0x2a: {  	[hbm4b:s18+s3] =	stream.linear.scatter [tilespmem:s6], [sflag:$0x2], $0x4000, $0x38;
	[tilespmem:$0x4080] =	vst v63  }
0x2b: {  	_ =	swait.ge [sflag:s4], $0x4000  }
0x2c: {  	s19 =	sadd.s32 $0xFFFFFFFF, s31;
	[sflag:s4] =	ssyncset.done $0x0  }
.LBB2_2:
0x2d: {  	p0 =	sne.s32 s19, $0x1;
	s19 =	sadd.s32 $0xFFFFFFFF, s19;
	[sflag:s4] =	ssyncadd.s32 $0xFFFFC000  }
0x2e: {  	[tilespmem:s3], [sflag:$0x2] =	stream.linear.gather [hbm4b:s5+s3], $0x10, $0x38;
	[tilespmem:$0x4080] =	vst v63  }
0x2f: {  	_ =	swait.ge [sflag:s4], $0x10  }
0x30: {  	[sflag:s4] =	ssyncset.done $0x0  }
0x31: {  	[sflag:s4] =	ssyncadd.s32 $0xFFFFFFF0  }
0x32: {  	v3 =	vld [tilespmem:$0x0];
	_ =	sdelay $0x4  }
0x33: {  	v4 =	vshll.u32 v3, $0x3  }
0x34: {  	v3 =	vand.u32 $0x7, v3;
	v4 =	vand.u32 $0xFFFFFFC0, v4  }
0x35: {  	v3 =	vor.u32 v3, v4  }
0x36: {  	v4 =	vperm.xlane v3, v0;
	v3 =	vperm.xlane v3, v2;
	_ =	sdelay $0x1  }
0x37: {  	v4 =	vadd.s32 v1, v4;
	_ =	sdelay $0x4  }
0x38: {  	[tilespmem:s6], [sflag:$0x1] =	stream.indirect_vreg.gather [hbm4b:s2+s3], $0x80, v4, vm0, $0xb8;
	[tilespmem:$0x4080] =	vst v63  }
0x39: {  	_ = 	snop  }
0x3a: {  	[tilespmem:s8], [sflag:$0x1] =	stream.indirect_vreg.gather [hbm4b:s7+s3], $0x80, v4, vm0, $0xb8;
	[tilespmem:$0x4080] =	vst v63  }
0x3b: {  	v3 =	vadd.s32 v1, v3  }
0x3c: {  	[tilespmem:s10], [sflag:$0x1] =	stream.indirect_vreg.gather [hbm4b:s9+s3], $0x80, v4, vm0, $0xb8;
	[tilespmem:$0x4080] =	vst v63  }
0x3d: {  	_ = 	snop  }
0x3e: {  	[tilespmem:s12], [sflag:$0x1] =	stream.indirect_vreg.gather [hbm4b:s11+s3], $0x80, v4, vm0, $0xb8;
	[tilespmem:$0x4080] =	vst v63  }
0x3f: {  	_ = 	snop  }
0x40: {  	[tilespmem:s13], [sflag:$0x1] =	stream.indirect_vreg.gather [hbm4b:s2+s3], $0x80, v3, vm0, $0xb8;
	[tilespmem:$0x4080] =	vst v63  }
0x41: {  	_ = 	snop  }
0x42: {  	[tilespmem:s14], [sflag:$0x1] =	stream.indirect_vreg.gather [hbm4b:s7+s3], $0x80, v3, vm0, $0xb8;
	[tilespmem:$0x4080] =	vst v63  }
0x43: {  	_ = 	snop  }
0x44: {  	[tilespmem:s15], [sflag:$0x1] =	stream.indirect_vreg.gather [hbm4b:s9+s3], $0x80, v3, vm0, $0xb8;
	[tilespmem:$0x4080] =	vst v63  }
0x45: {  	_ = 	snop  }
0x46: {  	[tilespmem:s16], [sflag:$0x1] =	stream.indirect_vreg.gather [hbm4b:s11+s3], $0x80, v3, vm0, $0xb8;
	[tilespmem:$0x4080] =	vst v63  }
0x47: {  	_ =	swait.ge [sflag:s17], $0x4000  }
.Ltmp2:
0x48: {  	[sflag:s17] =	ssyncset.done $0x0;
	(pc) =	sbr.rel @p0 .LBB2_2-.Ltmp2, $4  }
0x49: {  	[sflag:s17] =	ssyncadd.s32 $0xFFFFC000  }
0x4a: {  	[hbm4b:s18+s3] =	stream.linear.scatter [tilespmem:s6], [sflag:$0x2], $0x4000, $0x38;
	[tilespmem:$0x4080] =	vst v63  }
0x4b: {  	_ =	swait.ge [sflag:s4], $0x4000  }
0x4c: {  	[sflag:s4] =	ssyncset.done $0x0  }
.LBB2_3:
0x4d: {  	[sflag:s4] =	ssyncadd.s32 $0xFFFFC000  }
.LBB2_4:
0x4e: {  	_ =	sfence.sel $0x180000  }
0x4f: {  	[bflag:$0x0] =	sbarrier.arrive $0xFFFF  }
0x50: {  	p0 =	sne.s32 s1, $0x0;
	_ =	strace $0x90000047  }
0x51: {  	s0 =	sadd.s32 @!p0 $0x100000, s0;
	[bflag:$0x2] =	sbarrier.arrive $0xFFFF  }
0x52: {  	[sflag:s0] =	ssyncadd.tile.s32 @!p0 $0x1;
	_ =	shalt  }
.Lfunc_end2:
_tile_overlayer_lowered:
.L_overlay_start_2:
0x53: {  	(tag) =	ssettag $0x2  }
0x54: {  	s0 =	rddreg [dreg:$0x0];
	s2 =	stileid.u32  }
0x55: {  	s1 =	rddreg [dreg:$0x1];
	p0 =	sne.s32 s2, $0x0  }
0x56: {  	s3 =	rddreg [dreg:$0x2];
	[bflag:$0x3] =	sbarrier.arrive $0xFFFF;
	s2 =	simm.s32 @!p0 $0x1C02  }
0x57: {  	[timem:s3], [sflag:s2] =	dma.local @!p0 [hbm:s0], s1  }
0x58: {  	s0 =	simm.s32 @!p0 $0x2  }
0x59: {  	_ =	swait.ge @!p0 [sflag:s0], s1  }
0x5a: {  	s1 =	ssub.s32 @!p0 $0x0, s1;
	[sflag:s0] =	ssyncset.done @!p0 $0x0  }
0x5b: {  	[sflag:s0] =	ssyncadd.s32 @!p0 s1  }
0x5c: {  	[bflag:$0x3] =	sbarrier.arrive $0xFFFF  }
0x5d: {  	_ =	shalt  }

</sc_bundles>
